<compile_context>
chip_gen: v7x
topology: tpu7x:2x2x1
jax: 0.10.2.dev20260603
libtpu: 0.0.44.dev20260713+nightly
codegen_flags: <defaults>
</compile_context>

<pallas_src>
import functools

import jax
import jax.numpy as jnp
from jax import lax
from jax.experimental import pallas as pl
from jax.experimental.pallas import tpu as pltpu
from jax.experimental.pallas import tpu_sc as plsc

_OLD_VOCAB = 32000
_STOCKS_END = 32500

_info = plsc.get_sparse_core_info()
_NC, _NS, _L = _info.num_cores, _info.num_subcores, _info.num_lanes
_NW = _NC * _NS
_K = 8
_NBUF = 5
_WT = 2


@functools.partial(jax.jit, static_argnames=("n_tok", "d"))
def _lookup(ids, orig_table, new_table, *, n_tok, d):
    seq_l = ids.shape[1]
    tok_per_w = n_tok // _NW
    n_chunks = tok_per_w // _K

    mesh = plsc.VectorSubcoreMesh(core_axis_name="c", subcore_axis_name="s")

    @functools.partial(
        pl.kernel,
        out_type=jax.ShapeDtypeStruct((n_tok, d), jnp.float32),
        mesh=mesh,
        scratch_types=[
            pltpu.VMEM((tok_per_w,), jnp.int32),
            pltpu.VMEM((tok_per_w,), jnp.int32),
            pltpu.VMEM((tok_per_w,), jnp.int32),
            [pltpu.VMEM((_K, d), jnp.float32) for _ in range(_NBUF)],
            pltpu.VMEM((_L, d), jnp.float32),
            [pltpu.SemaphoreType.DMA for _ in range(_NBUF)],
            [pltpu.SemaphoreType.DMA for _ in range(_NBUF)],
            pltpu.SemaphoreType.DMA,
            pltpu.SemaphoreType.DMA,
        ],
        compiler_params=pltpu.CompilerParams(needs_layout_passes=False),
    )
    def k(ids_hbm, orig_hbm, new_hbm, out_hbm, ids_v, pos_v, nid_v,
          bufs, obuf, gsems, wsems, ogsem, owsem):
        wid = lax.axis_index("s") * _NC + lax.axis_index("c")
        base = wid * tok_per_w
        w_per_row = seq_l // tok_per_w
        pltpu.sync_copy(
            ids_hbm.at[wid // w_per_row,
                       pl.ds((wid % w_per_row) * tok_per_w, tok_per_w)],
            ids_v)

        def start_gather(c, buf, sem):
            pltpu.async_copy(orig_hbm.at[ids_v.at[pl.ds(c * _K, _K)]],
                             buf, sem)

        def wait_gather(buf, sem):
            pltpu.make_async_copy(orig_hbm.at[ids_v.at[pl.ds(0, _K)]],
                                  buf, sem).wait()

        def start_write(c, buf, sem):
            pltpu.async_copy(buf, out_hbm.at[pl.ds(base + c * _K, _K)],
                             sem)

        def wait_write(buf, sem):
            pltpu.make_async_copy(buf, out_hbm.at[pl.ds(0, _K)],
                                  sem).wait()

        def sub_step(c, b):
            @pl.when((c >= _NBUF) & (c < n_chunks))
            def _():
                wait_write(bufs[b], wsems[b])

            @pl.when((c >= _NBUF) & (c < n_chunks))
            def _():
                start_gather(c, bufs[b], gsems[b])

            bp = (b - _WT) % _NBUF

            @pl.when((c >= _WT) & (c - _WT < n_chunks))
            def _():
                wait_gather(bufs[bp], gsems[bp])
                start_write(c - _WT, bufs[bp], wsems[bp])

        def ring_body(j, carry):
            for t in range(_NBUF):
                sub_step(j * _NBUF + t, t)
            return carry

        for t in range(_NBUF):
            start_gather(t, bufs[t], gsems[t])

        lanes = lax.iota(jnp.int32, _L)

        def prefix_incl(x):
            for sh in (1, 2, 4, 8):
                idx = jnp.maximum(lanes - sh, 0)
                shifted = lax.gather(
                    x, idx[:, None],
                    dimension_numbers=lax.GatherDimensionNumbers(
                        offset_dims=(), collapsed_slice_dims=(0,),
                        start_index_map=(0,)),
                    slice_sizes=(1,),
                    mode=lax.GatherScatterMode.PROMISE_IN_BOUNDS)
                x = x + jnp.where(lanes >= sh, shifted, 0)
            return x

        def compact_body(i, off):
            v = ids_v[pl.ds(i * _L, _L)]
            m = (v >= _OLD_VOCAB) & (v < _STOCKS_END)
            mi = jnp.where(m, 1, 0)
            dest = jnp.maximum(off + prefix_incl(mi) - 1, 0)
            pos_vec = base + i * _L + lanes
            plsc.store_scatter(pos_v, [dest], pos_vec, mask=m)
            plsc.store_scatter(nid_v, [dest], v - _OLD_VOCAB, mask=m)
            return off + plsc.all_reduce_population_count(m)

        off_vec = lax.fori_loop(0, tok_per_w // _L, compact_body,
                                jnp.zeros((_L,), jnp.int32))
        n_masked = off_vec[0]
        n_blocks = (n_masked + _L - 1) // _L

        lax.fori_loop(0, n_chunks // _NBUF + 1, ring_body, jnp.int32(0))

        def lane_bcast(x, lane):
            return lax.gather(
                x, jnp.broadcast_to(lane, (_L,))[:, None],
                dimension_numbers=lax.GatherDimensionNumbers(
                    offset_dims=(), collapsed_slice_dims=(0,),
                    start_index_map=(0,)),
                slice_sizes=(1,),
                mode=lax.GatherScatterMode.PROMISE_IN_BOUNDS)

        def over_vecs(b):
            valid = b * _L + lanes < n_masked
            last_lane = jnp.clip(n_masked - 1 - b * _L, 0, _L - 1)
            nvec_s = nid_v[pl.ds(b * _L, _L)]
            pvec_s = pos_v[pl.ds(b * _L, _L)]
            nvec = jnp.where(valid, nvec_s, lane_bcast(nvec_s, last_lane))
            pvec = jnp.where(valid, pvec_s, lane_bcast(pvec_s, last_lane))
            return nvec, pvec

        @pl.when(n_blocks > 0)
        def _():
            nvec, _unused = over_vecs(0)
            pltpu.async_copy(new_hbm.at[nvec], obuf, ogsem)

        for b in range(_NBUF):
            wait_write(bufs[b], wsems[b])

        def over_body(b, carry):
            nvec, pvec = over_vecs(b)
            pltpu.make_async_copy(new_hbm.at[nvec], obuf, ogsem).wait()
            pltpu.async_copy(obuf, out_hbm.at[pvec], owsem).wait()

            @pl.when(b + 1 < n_blocks)
            def _():
                nvec2, _u = over_vecs(b + 1)
                pltpu.async_copy(new_hbm.at[nvec2], obuf, ogsem)

            return carry

        lax.fori_loop(0, n_blocks, over_body, jnp.int32(0))

    return k(ids, orig_table, new_table)


def kernel(input_ids, orig_table, new_table, num_features):
    b, l = input_ids.shape
    d = orig_table.shape[1]
    ids = input_ids.astype(jnp.int32)
    out = _lookup(ids, orig_table, new_table, n_tok=b * l, d=d)
    return out.reshape(b, l, d)

# --- scband reference (transcript-rebuilt; emitter-appended) ---
"""Pipeline reference for scband-custom-embeddings-81235011436961 (READ-ONLY COPY).

The authoritative reference and input builder live on the scoring server;
editing this copy changes nothing except your own understanding.
"""

import jax, jax.numpy as jnp
import numpy as np

OLD_VOCAB = 32000
STOCKS_END = 32500  # len_vocab_added_stocks_fin
NEW_VOCAB = 33000
D = 2048
B, L = 4, 4096


def setup_inputs(seed: int = 0) -> dict:
    key = jax.random.key(seed)
    k1, k2, k3, k4 = jax.random.split(key, 4)
    # token ids are drawn in [0, STOCKS_END): original tokens plus the stocks/fin
    # added-token range; the 'num' token range [STOCKS_END, NEW_VOCAB) never
    # appears, matching the data-independent shape needed for jit.
    input_ids = jax.random.randint(k1, (B, L), 0, STOCKS_END)
    # original_embeddings: nn.Embedding(NEW_VOCAB, D) (resized Llama table)
    orig_table = jax.random.normal(k2, (NEW_VOCAB, D), dtype=jnp.float32) * 0.02
    # new_embeddings_layer: nn.Embedding(NEW_VOCAB - OLD_VOCAB, D)
    new_table = jax.random.normal(k3, (NEW_VOCAB - OLD_VOCAB, D), dtype=jnp.float32) * 0.02
    # placeholder for num_dict numeric features (unused: no num tokens present)
    num_features = jax.random.uniform(k4, (1, 4), dtype=jnp.float32)
    return {"input_ids": input_ids, "orig_table": orig_table,
            "new_table": new_table, "num_features": num_features}


def reference(input_ids, orig_table, new_table, num_features):
    # embeddings = self.original_embeddings(input_ids).clone()
    emb = jnp.take(orig_table, input_ids, axis=0)
    # masked_stocks_fin_embeddings = torch.isin(input_ids, stocks_fin_indices)
    mask_stocks = (input_ids >= OLD_VOCAB) & (input_ids < STOCKS_END)
    # new ids relative to start of new-token table
    new_ids = jnp.clip(input_ids - OLD_VOCAB, 0, new_table.shape[0] - 1)
    new_emb = jnp.take(new_table, new_ids, axis=0)
    # embeddings[mask] = new_embeddings_layer(new_ids)
    emb = jnp.where(mask_stocks[..., None], new_emb, emb)
    # num-token branch: mask is provably all-False for these inputs (ids < STOCKS_END),
    # so torch skips it; nothing to compute here.
    return emb

if __name__ == "__main__":
    import jax
    _d = setup_inputs()
    print(jax.jit(kernel)(*tuple(_d.values())))

</pallas_src>

<mosaic_0001>
#map = affine_map<(d0, d1) -> (0, 0)>
module attributes {stable_mosaic.version = 14 : i64} {
  func.func @k(%arg0: i32, %arg1: i32, %arg2: memref<4x4096xi32, #tpu.memory_space<hbm>>, %arg3: memref<33000x2048xf32, #tpu.memory_space<hbm>>, %arg4: memref<1000x2048xf32, #tpu.memory_space<hbm>>, %arg5: memref<16384x2048xf32, #tpu.memory_space<hbm>>, %arg6: memref<512xi32, #tpu.memory_space<vmem>>, %arg7: memref<512xi32, #tpu.memory_space<vmem>>, %arg8: memref<512xi32, #tpu.memory_space<vmem>>, %arg9: memref<8x2048xf32, #tpu.memory_space<vmem>>, %arg10: memref<8x2048xf32, #tpu.memory_space<vmem>>, %arg11: memref<8x2048xf32, #tpu.memory_space<vmem>>, %arg12: memref<8x2048xf32, #tpu.memory_space<vmem>>, %arg13: memref<8x2048xf32, #tpu.memory_space<vmem>>, %arg14: memref<16x2048xf32, #tpu.memory_space<vmem>>, %arg15: memref<!tpu.dma_semaphore, #tpu.memory_space<semaphore_mem>>, %arg16: memref<!tpu.dma_semaphore, #tpu.memory_space<semaphore_mem>>, %arg17: memref<!tpu.dma_semaphore, #tpu.memory_space<semaphore_mem>>, %arg18: memref<!tpu.dma_semaphore, #tpu.memory_space<semaphore_mem>>, %arg19: memref<!tpu.dma_semaphore, #tpu.memory_space<semaphore_mem>>, %arg20: memref<!tpu.dma_semaphore, #tpu.memory_space<semaphore_mem>>, %arg21: memref<!tpu.dma_semaphore, #tpu.memory_space<semaphore_mem>>, %arg22: memref<!tpu.dma_semaphore, #tpu.memory_space<semaphore_mem>>, %arg23: memref<!tpu.dma_semaphore, #tpu.memory_space<semaphore_mem>>, %arg24: memref<!tpu.dma_semaphore, #tpu.memory_space<semaphore_mem>>, %arg25: memref<!tpu.dma_semaphore, #tpu.memory_space<semaphore_mem>>, %arg26: memref<!tpu.dma_semaphore, #tpu.memory_space<semaphore_mem>>) attributes {dimension_semantics = [#tpu.dimension_semantics<core_parallel>, #tpu.dimension_semantics<subcore_parallel>], iteration_bounds = array<i64: 2, 16>, scalar_prefetch = 0 : i64, scratch_operands = 21 : i64, tpu.core_type = #tpu.core_type<sc_vector_subcore>, window_params = [{transform_indices = #map}, {transform_indices = #map}, {transform_indices = #map}, {transform_indices = #map}]} {
    %mul3A = arith.constant 2 : i32
    %mul3A_0 = arith.muli %arg1, %mul3A : i32
    %add3A = arith.addi %mul3A_0, %arg0 : i32
    %mul3A_1 = arith.constant 512 : i32
    %mul3A_2 = arith.muli %add3A, %mul3A_1 : i32
    %jit3A = arith.constant 8 : i32
    %div3A = arith.divsi %add3A, %jit3A : i32
    %sign3A = arith.constant 0 : i32
    %sign3A_3 = arith.cmpi sgt, %add3A, %sign3A : i32
    %sign3A_4 = arith.extui %sign3A_3 : i1 to i32
    %sign3A_5 = arith.constant 0 : i32
    %sign3A_6 = arith.cmpi slt, %add3A, %sign3A_5 : i32
    %sign3A_7 = arith.extui %sign3A_6 : i1 to i32
    %sign3A_8 = arith.subi %sign3A_4, %sign3A_7 : i32
    %sign3A_9 = arith.constant 0 : i32
    %sign3A_10 = arith.cmpi sgt, %jit3A, %sign3A_9 : i32
    %sign3A_11 = arith.extui %sign3A_10 : i1 to i32
    %sign3A_12 = arith.constant 0 : i32
    %sign3A_13 = arith.cmpi slt, %jit3A, %sign3A_12 : i32
    %sign3A_14 = arith.extui %sign3A_13 : i1 to i32
    %sign3A_15 = arith.subi %sign3A_11, %sign3A_14 : i32
    %ne3A = arith.cmpi ne, %sign3A_8, %sign3A_15 : i32
    %rem3A = arith.remsi %add3A, %jit3A : i32
    %ne3A_16 = arith.constant 0 : i32
    %ne3A_17 = arith.cmpi ne, %rem3A, %ne3A_16 : i32
    %and3A = arith.andi %ne3A, %ne3A_17 : i1
    %sub3A = arith.constant 1 : i32
    %sub3A_18 = arith.subi %div3A, %sub3A : i32
    %select_n3A = arith.select %and3A, %sub3A_18, %div3A : i32
    %jit3A_19 = arith.constant 8 : i32
    %eq3A = arith.constant 0 : i32
    %eq3A_20 = arith.cmpi eq, %jit3A_19, %eq3A : i32
    %jit3A_21 = arith.constant 1 : i32
    %select_n3A_22 = arith.select %eq3A_20, %jit3A_21, %jit3A_19 : i32
    %rem3A_23 = arith.remsi %add3A, %select_n3A_22 : i32
    %ne3A_24 = arith.constant 0 : i32
    %ne3A_25 = arith.cmpi ne, %rem3A_23, %ne3A_24 : i32
    %lt3A = arith.constant 0 : i32
    %lt3A_26 = arith.cmpi slt, %rem3A_23, %lt3A : i32
    %lt3A_27 = arith.constant 0 : i32
    %lt3A_28 = arith.cmpi slt, %select_n3A_22, %lt3A_27 : i32
    %ne3A_29 = arith.xori %lt3A_26, %lt3A_28 : i1
    %and3A_30 = arith.andi %ne3A_29, %ne3A_25 : i1
    %add3A_31 = arith.addi %rem3A_23, %select_n3A_22 : i32
    %select_n3A_32 = arith.select %and3A_30, %add3A_31, %rem3A_23 : i32
    %mul3A_33 = arith.constant 512 : i32
    %mul3A_34 = arith.muli %select_n3A_32, %mul3A_33 : i32
    "tpu.region"() ({
      %run_scoped3A = tpu.sem_alloc : memref<!tpu.dma_semaphore, #tpu.memory_space<semaphore_mem>>
      %dma_start3A_139 = tpu.memref_slice %arg2[%select_n3A, %mul3A_34] : memref<4x4096xi32, #tpu.memory_space<hbm>> -> memref<1x512xi32, #tpu.memory_space<hbm>>
      %dma_start3A_140 = tpu.memref_squeeze %dma_start3A_139 : memref<1x512xi32, #tpu.memory_space<hbm>> -> memref<512xi32, #tpu.memory_space<hbm>>
      %dma_start3A_141 = tpu.memref_slice %arg2[%select_n3A, %mul3A_34] : memref<4x4096xi32, #tpu.memory_space<hbm>> -> memref<1x512xi32, #tpu.memory_space<hbm>>
      %dma_start3A_142 = tpu.memref_squeeze %dma_start3A_141 : memref<1x512xi32, #tpu.memory_space<hbm>> -> memref<512xi32, #tpu.memory_space<hbm>>
      tpu.enqueue_dma source(%dma_start3A_142 : memref<512xi32, #tpu.memory_space<hbm>>) target(%arg6 : memref<512xi32, #tpu.memory_space<vmem>>) target_semaphore(%run_scoped3A : memref<!tpu.dma_semaphore, #tpu.memory_space<semaphore_mem>>)
      %dma_wait3A_143 = tpu.memref_slice %arg2[%select_n3A, %mul3A_34] : memref<4x4096xi32, #tpu.memory_space<hbm>> -> memref<1x512xi32, #tpu.memory_space<hbm>>
      %dma_wait3A_144 = tpu.memref_squeeze %dma_wait3A_143 : memref<1x512xi32, #tpu.memory_space<hbm>> -> memref<512xi32, #tpu.memory_space<hbm>>
      %dma_wait3A_145 = tpu.memref_slice %arg2[%select_n3A, %mul3A_34] : memref<4x4096xi32, #tpu.memory_space<hbm>> -> memref<1x512xi32, #tpu.memory_space<hbm>>
      %dma_wait3A_146 = tpu.memref_squeeze %dma_wait3A_145 : memref<1x512xi32, #tpu.memory_space<hbm>> -> memref<512xi32, #tpu.memory_space<hbm>>
      tpu.wait_dma2 semaphore(%run_scoped3A : memref<!tpu.dma_semaphore, #tpu.memory_space<semaphore_mem>>) src(%dma_wait3A_146 : memref<512xi32, #tpu.memory_space<hbm>>) dst(%arg6 : memref<512xi32, #tpu.memory_space<vmem>>)
      tpu.yield
    }) : () -> ()
    %dma_start3A = arith.constant 0 : i32
    %dma_start3A_35 = tpu.memref_slice %arg6[%dma_start3A] : memref<512xi32, #tpu.memory_space<vmem>> -> memref<8xi32, #tpu.memory_space<vmem>>
    %dma_start3A_36 = arith.constant 0 : i32
    %dma_start3A_37 = arith.constant 0 : i32
    %dma_start3A_38 = tpu.memref_slice %arg3[%dma_start3A_36, %dma_start3A_37] : memref<33000x2048xf32, #tpu.memory_space<hbm>> -> memref<33000x2048xf32, #tpu.memory_space<hbm>>
    tpu.enqueue_indirect_dma source(%dma_start3A_38 : memref<33000x2048xf32, #tpu.memory_space<hbm>>) target(%arg9 : memref<8x2048xf32, #tpu.memory_space<vmem>>) offsets(%dma_start3A_35 : memref<8xi32, #tpu.memory_space<vmem>>) semaphore(%arg15 : memref<!tpu.dma_semaphore, #tpu.memory_space<semaphore_mem>>)
    %dma_start3A_39 = arith.constant 8 : i32
    %dma_start3A_40 = tpu.memref_slice %arg6[%dma_start3A_39] : memref<512xi32, #tpu.memory_space<vmem>> -> memref<8xi32, #tpu.memory_space<vmem>>
    %dma_start3A_41 = arith.constant 0 : i32
    %dma_start3A_42 = arith.constant 0 : i32
    %dma_start3A_43 = tpu.memref_slice %arg3[%dma_start3A_41, %dma_start3A_42] : memref<33000x2048xf32, #tpu.memory_space<hbm>> -> memref<33000x2048xf32, #tpu.memory_space<hbm>>
    tpu.enqueue_indirect_dma source(%dma_start3A_43 : memref<33000x2048xf32, #tpu.memory_space<hbm>>) target(%arg10 : memref<8x2048xf32, #tpu.memory_space<vmem>>) offsets(%dma_start3A_40 : memref<8xi32, #tpu.memory_space<vmem>>) semaphore(%arg16 : memref<!tpu.dma_semaphore, #tpu.memory_space<semaphore_mem>>)
    %dma_start3A_44 = arith.constant 16 : i32
    %dma_start3A_45 = tpu.memref_slice %arg6[%dma_start3A_44] : memref<512xi32, #tpu.memory_space<vmem>> -> memref<8xi32, #tpu.memory_space<vmem>>
    %dma_start3A_46 = arith.constant 0 : i32
    %dma_start3A_47 = arith.constant 0 : i32
    %dma_start3A_48 = tpu.memref_slice %arg3[%dma_start3A_46, %dma_start3A_47] : memref<33000x2048xf32, #tpu.memory_space<hbm>> -> memref<33000x2048xf32, #tpu.memory_space<hbm>>
    tpu.enqueue_indirect_dma source(%dma_start3A_48 : memref<33000x2048xf32, #tpu.memory_space<hbm>>) target(%arg11 : memref<8x2048xf32, #tpu.memory_space<vmem>>) offsets(%dma_start3A_45 : memref<8xi32, #tpu.memory_space<vmem>>) semaphore(%arg17 : memref<!tpu.dma_semaphore, #tpu.memory_space<semaphore_mem>>)
    %dma_start3A_49 = arith.constant 24 : i32
    %dma_start3A_50 = tpu.memref_slice %arg6[%dma_start3A_49] : memref<512xi32, #tpu.memory_space<vmem>> -> memref<8xi32, #tpu.memory_space<vmem>>
    %dma_start3A_51 = arith.constant 0 : i32
    %dma_start3A_52 = arith.constant 0 : i32
    %dma_start3A_53 = tpu.memref_slice %arg3[%dma_start3A_51, %dma_start3A_52] : memref<33000x2048xf32, #tpu.memory_space<hbm>> -> memref<33000x2048xf32, #tpu.memory_space<hbm>>
    tpu.enqueue_indirect_dma source(%dma_start3A_53 : memref<33000x2048xf32, #tpu.memory_space<hbm>>) target(%arg12 : memref<8x2048xf32, #tpu.memory_space<vmem>>) offsets(%dma_start3A_50 : memref<8xi32, #tpu.memory_space<vmem>>) semaphore(%arg18 : memref<!tpu.dma_semaphore, #tpu.memory_space<semaphore_mem>>)
    %dma_start3A_54 = arith.constant 32 : i32
    %dma_start3A_55 = tpu.memref_slice %arg6[%dma_start3A_54] : memref<512xi32, #tpu.memory_space<vmem>> -> memref<8xi32, #tpu.memory_space<vmem>>
    %dma_start3A_56 = arith.constant 0 : i32
    %dma_start3A_57 = arith.constant 0 : i32
    %dma_start3A_58 = tpu.memref_slice %arg3[%dma_start3A_56, %dma_start3A_57] : memref<33000x2048xf32, #tpu.memory_space<hbm>> -> memref<33000x2048xf32, #tpu.memory_space<hbm>>
    tpu.enqueue_indirect_dma source(%dma_start3A_58 : memref<33000x2048xf32, #tpu.memory_space<hbm>>) target(%arg13 : memref<8x2048xf32, #tpu.memory_space<vmem>>) offsets(%dma_start3A_55 : memref<8xi32, #tpu.memory_space<vmem>>) semaphore(%arg19 : memref<!tpu.dma_semaphore, #tpu.memory_space<semaphore_mem>>)
    %iota3A = tpu.iota {dimensions = array<i32: 0>} : vector<16xi32>
    %broadcast_in_dim3A = arith.constant 0 : i32
    %broadcast_in_dim3A_59 = vector.broadcast %broadcast_in_dim3A : i32 to vector<16xi32>
    %scan3A = arith.constant 0 : i32
    %scan3A_60 = arith.constant 32 : i32
    %scan3A_61 = arith.addi %scan3A, %scan3A_60 : i32
    %scan3A_62 = arith.constant 1 : i32
    %scan3A_63 = scf.for %scan3A_139 = %scan3A to %scan3A_61 step %scan3A_62 iter_args(%scan3A_140 = %broadcast_in_dim3A_59) -> (vector<16xi32>)  : i32 {
      %mul3A_141 = arith.constant 16 : i32
      %mul3A_142 = arith.muli %scan3A_139, %mul3A_141 : i32
      %get3A = arith.index_cast %mul3A_142 : i32 to index
      %get3A_143 = tpu.vector_load %arg6[%get3A] {strides = array<i32>} : memref<512xi32, #tpu.memory_space<vmem>>, vector<16xi32>,
      %ge3A = arith.constant 32000 : i32
      %ge3A_144 = vector.broadcast %ge3A : i32 to vector<16xi32>
      %ge3A_145 = arith.cmpi sge, %get3A_143, %ge3A_144 : vector<16xi32>
      %lt3A_146 = arith.constant 32500 : i32
      %lt3A_147 = vector.broadcast %lt3A_146 : i32 to vector<16xi32>
      %lt3A_148 = arith.cmpi slt, %get3A_143, %lt3A_147 : vector<16xi32>
      %and3A_149 = arith.andi %ge3A_145, %lt3A_148 : vector<16xi1>
      %jit3A_150 = arith.constant 1 : i32
      %jit3A_151 = arith.constant 0 : i32
      %broadcast_in_dim3A_152 = vector.broadcast %jit3A_150 : i32 to vector<16xi32>
      %broadcast_in_dim3A_153 = vector.broadcast %jit3A_151 : i32 to vector<16xi32>
      %select_n3A_154 = arith.select %and3A_149, %broadcast_in_dim3A_152, %broadcast_in_dim3A_153 : vector<16xi1>, vector<16xi32>
      %sub3A_155 = arith.constant 1 : i32
      %sub3A_156 = vector.broadcast %sub3A_155 : i32 to vector<16xi32>
      %sub3A_157 = arith.subi %iota3A, %sub3A_156 : vector<16xi32>
      %max3A = arith.constant 0 : i32
      %max3A_158 = vector.broadcast %max3A : i32 to vector<16xi32>
      %max3A_159 = arith.maxsi %sub3A_157, %max3A_158 : vector<16xi32>
      %broadcast_in_dim3A_160 = vector.shape_cast %max3A_159 : vector<16xi32> to vector<16x1xi32>
      %gather3A = vector.shape_cast %broadcast_in_dim3A_160 : vector<16x1xi32> to vector<16xi32>
      %gather3A_161 = tpu.dynamic_gather %select_n3A_154[%gather3A] in [0] : vector<16xi32>, vector<16xi32> -> vector<16xi32>
      %ge3A_162 = arith.constant 1 : i32
      %ge3A_163 = vector.broadcast %ge3A_162 : i32 to vector<16xi32>
      %ge3A_164 = arith.cmpi sge, %iota3A, %ge3A_163 : vector<16xi32>
      %jit3A_165 = arith.constant 0 : i32
      %broadcast_in_dim3A_166 = vector.broadcast %jit3A_165 : i32 to vector<16xi32>
      %select_n3A_167 = arith.select %ge3A_164, %gather3A_161, %broadcast_in_dim3A_166 : vector<16xi1>, vector<16xi32>
      %add3A_168 = arith.addi %select_n3A_154, %select_n3A_167 : vector<16xi32>
      %sub3A_169 = arith.constant 2 : i32
      %sub3A_170 = vector.broadcast %sub3A_169 : i32 to vector<16xi32>
      %sub3A_171 = arith.subi %iota3A, %sub3A_170 : vector<16xi32>
      %max3A_172 = arith.constant 0 : i32
      %max3A_173 = vector.broadcast %max3A_172 : i32 to vector<16xi32>
      %max3A_174 = arith.maxsi %sub3A_171, %max3A_173 : vector<16xi32>
      %broadcast_in_dim3A_175 = vector.shape_cast %max3A_174 : vector<16xi32> to vector<16x1xi32>
      %gather3A_176 = vector.shape_cast %broadcast_in_dim3A_175 : vector<16x1xi32> to vector<16xi32>
      %gather3A_177 = tpu.dynamic_gather %add3A_168[%gather3A_176] in [0] : vector<16xi32>, vector<16xi32> -> vector<16xi32>
      %ge3A_178 = arith.constant 2 : i32
      %ge3A_179 = vector.broadcast %ge3A_178 : i32 to vector<16xi32>
      %ge3A_180 = arith.cmpi sge, %iota3A, %ge3A_179 : vector<16xi32>
      %jit3A_181 = arith.constant 0 : i32
      %broadcast_in_dim3A_182 = vector.broadcast %jit3A_181 : i32 to vector<16xi32>
      %select_n3A_183 = arith.select %ge3A_180, %gather3A_177, %broadcast_in_dim3A_182 : vector<16xi1>, vector<16xi32>
      %add3A_184 = arith.addi %add3A_168, %select_n3A_183 : vector<16xi32>
      %sub3A_185 = arith.constant 4 : i32
      %sub3A_186 = vector.broadcast %sub3A_185 : i32 to vector<16xi32>
      %sub3A_187 = arith.subi %iota3A, %sub3A_186 : vector<16xi32>
      %max3A_188 = arith.constant 0 : i32
      %max3A_189 = vector.broadcast %max3A_188 : i32 to vector<16xi32>
      %max3A_190 = arith.maxsi %sub3A_187, %max3A_189 : vector<16xi32>
      %broadcast_in_dim3A_191 = vector.shape_cast %max3A_190 : vector<16xi32> to vector<16x1xi32>
      %gather3A_192 = vector.shape_cast %broadcast_in_dim3A_191 : vector<16x1xi32> to vector<16xi32>
      %gather3A_193 = tpu.dynamic_gather %add3A_184[%gather3A_192] in [0] : vector<16xi32>, vector<16xi32> -> vector<16xi32>
      %ge3A_194 = arith.constant 4 : i32
      %ge3A_195 = vector.broadcast %ge3A_194 : i32 to vector<16xi32>
      %ge3A_196 = arith.cmpi sge, %iota3A, %ge3A_195 : vector<16xi32>
      %jit3A_197 = arith.constant 0 : i32
      %broadcast_in_dim3A_198 = vector.broadcast %jit3A_197 : i32 to vector<16xi32>
      %select_n3A_199 = arith.select %ge3A_196, %gather3A_193, %broadcast_in_dim3A_198 : vector<16xi1>, vector<16xi32>
      %add3A_200 = arith.addi %add3A_184, %select_n3A_199 : vector<16xi32>
      %sub3A_201 = arith.constant 8 : i32
      %sub3A_202 = vector.broadcast %sub3A_201 : i32 to vector<16xi32>
      %sub3A_203 = arith.subi %iota3A, %sub3A_202 : vector<16xi32>
      %max3A_204 = arith.constant 0 : i32
      %max3A_205 = vector.broadcast %max3A_204 : i32 to vector<16xi32>
      %max3A_206 = arith.maxsi %sub3A_203, %max3A_205 : vector<16xi32>
      %broadcast_in_dim3A_207 = vector.shape_cast %max3A_206 : vector<16xi32> to vector<16x1xi32>
      %gather3A_208 = vector.shape_cast %broadcast_in_dim3A_207 : vector<16x1xi32> to vector<16xi32>
      %gather3A_209 = tpu.dynamic_gather %add3A_200[%gather3A_208] in [0] : vector<16xi32>, vector<16xi32> -> vector<16xi32>
      %ge3A_210 = arith.constant 8 : i32
      %ge3A_211 = vector.broadcast %ge3A_210 : i32 to vector<16xi32>
      %ge3A_212 = arith.cmpi sge, %iota3A, %ge3A_211 : vector<16xi32>
      %jit3A_213 = arith.constant 0 : i32
      %broadcast_in_dim3A_214 = vector.broadcast %jit3A_213 : i32 to vector<16xi32>
      %select_n3A_215 = arith.select %ge3A_212, %gather3A_209, %broadcast_in_dim3A_214 : vector<16xi1>, vector<16xi32>
      %add3A_216 = arith.addi %add3A_200, %select_n3A_215 : vector<16xi32>
      %add3A_217 = arith.addi %scan3A_140, %add3A_216 : vector<16xi32>
      %sub3A_218 = arith.constant 1 : i32
      %sub3A_219 = vector.broadcast %sub3A_218 : i32 to vector<16xi32>
      %sub3A_220 = arith.subi %add3A_217, %sub3A_219 : vector<16xi32>
      %max3A_221 = arith.constant 0 : i32
      %max3A_222 = vector.broadcast %max3A_221 : i32 to vector<16xi32>
      %max3A_223 = arith.maxsi %sub3A_220, %max3A_222 : vector<16xi32>
      %mul3A_224 = arith.constant 16 : i32
      %mul3A_225 = arith.muli %scan3A_139, %mul3A_224 : i32
      %add3A_226 = arith.addi %mul3A_2, %mul3A_225 : i32
      %add3A_227 = vector.broadcast %add3A_226 : i32 to vector<16xi32>
      %add3A_228 = arith.addi %add3A_227, %iota3A : vector<16xi32>
      tpu.vector_store_idx %arg7[%max3A_223], %add3A_228 masked %and3A_149 : memref<512xi32, #tpu.memory_space<vmem>>[vector<16xi32>], vector<16xi32>, vector<16xi1>
      %sub3A_229 = arith.constant 32000 : i32
      %sub3A_230 = vector.broadcast %sub3A_229 : i32 to vector<16xi32>
      %sub3A_231 = arith.subi %get3A_143, %sub3A_230 : vector<16xi32>
      tpu.vector_store_idx %arg8[%max3A_223], %sub3A_231 masked %and3A_149 : memref<512xi32, #tpu.memory_space<vmem>>[vector<16xi32>], vector<16xi32>, vector<16xi1>
      %all_reduce_population_count3A = tpu.all_reduce %and3A_149 {dim = 0 : i64, kind = #tpu.reduction_kind<sum>} : vector<16xi1> -> vector<16xi32>
      %add3A_232 = arith.addi %scan3A_140, %all_reduce_population_count3A : vector<16xi32>
      scf.yield %add3A_232 : vector<16xi32>
    }
    %scan3A_64 = arith.constant 32 : i32
    %slice3A = vector.extract_strided_slice %scan3A_63 {offsets = [0], sizes = [1], strides = [1]} : vector<16xi32> to vector<1xi32>
    %squeeze3A = vector.extract %slice3A[0] : i32 from vector<1xi32>
    %add3A_65 = arith.constant 16 : i32
    %add3A_66 = arith.addi %squeeze3A, %add3A_65 : i32
    %sub3A_67 = arith.constant 1 : i32
    %sub3A_68 = arith.subi %add3A_66, %sub3A_67 : i32
    %jit3A_69 = arith.constant 16 : i32
    %div3A_70 = arith.divsi %sub3A_68, %jit3A_69 : i32
    %sign3A_71 = arith.constant 0 : i32
    %sign3A_72 = arith.cmpi sgt, %sub3A_68, %sign3A_71 : i32
    %sign3A_73 = arith.extui %sign3A_72 : i1 to i32
    %sign3A_74 = arith.constant 0 : i32
    %sign3A_75 = arith.cmpi slt, %sub3A_68, %sign3A_74 : i32
    %sign3A_76 = arith.extui %sign3A_75 : i1 to i32
    %sign3A_77 = arith.subi %sign3A_73, %sign3A_76 : i32
    %sign3A_78 = arith.constant 0 : i32
    %sign3A_79 = arith.cmpi sgt, %jit3A_69, %sign3A_78 : i32
    %sign3A_80 = arith.extui %sign3A_79 : i1 to i32
    %sign3A_81 = arith.constant 0 : i32
    %sign3A_82 = arith.cmpi slt, %jit3A_69, %sign3A_81 : i32
    %sign3A_83 = arith.extui %sign3A_82 : i1 to i32
    %sign3A_84 = arith.subi %sign3A_80, %sign3A_83 : i32
    %ne3A_85 = arith.cmpi ne, %sign3A_77, %sign3A_84 : i32
    %rem3A_86 = arith.remsi %sub3A_68, %jit3A_69 : i32
    %ne3A_87 = arith.constant 0 : i32
    %ne3A_88 = arith.cmpi ne, %rem3A_86, %ne3A_87 : i32
    %and3A_89 = arith.andi %ne3A_85, %ne3A_88 : i1
    %sub3A_90 = arith.constant 1 : i32
    %sub3A_91 = arith.subi %div3A_70, %sub3A_90 : i32
    %select_n3A_92 = arith.select %and3A_89, %sub3A_91, %div3A_70 : i32
    %scan3A_93 = arith.constant 0 : i32
    %scan3A_94 = arith.constant 0 : i32
    %scan3A_95 = arith.constant 13 : i32
    %scan3A_96 = arith.addi %scan3A_94, %scan3A_95 : i32
    %scan3A_97 = arith.constant 1 : i32
    scf.for %scan3A_139 = %scan3A_94 to %scan3A_96 step %scan3A_97  : i32 {
      %mul3A_140 = arith.constant 5 : i32
      %mul3A_141 = arith.muli %scan3A_139, %mul3A_140 : i32
      %add3A_142 = arith.constant 0 : i32
      %add3A_143 = arith.addi %mul3A_141, %add3A_142 : i32
      %ge3A = arith.constant 5 : i32
      %ge3A_144 = arith.cmpi sge, %add3A_143, %ge3A : i32
      %lt3A_145 = arith.constant 64 : i32
      %lt3A_146 = arith.cmpi slt, %add3A_143, %lt3A_145 : i32
      %and3A_147 = arith.andi %ge3A_144, %lt3A_146 : i1
      %convert_element_type3A_148 = arith.extui %and3A_147 : i1 to i32
      %cond3A_149 = arith.constant 0 : i32
      %cond3A_150 = arith.cmpi ne, %convert_element_type3A_148, %cond3A_149 : i32
      scf.if %cond3A_150 {
        %dma_wait3A_289 = arith.constant 0 : i32
        %dma_wait3A_290 = arith.constant 0 : i32
        %dma_wait3A_291 = tpu.memref_slice %arg5[%dma_wait3A_289, %dma_wait3A_290] : memref<16384x2048xf32, #tpu.memory_space<hbm>> -> memref<8x2048xf32, #tpu.memory_space<hbm>>
        %dma_wait3A_292 = arith.constant 0 : i32
        %dma_wait3A_293 = arith.constant 0 : i32
        %dma_wait3A_294 = tpu.memref_slice %arg5[%dma_wait3A_292, %dma_wait3A_293] : memref<16384x2048xf32, #tpu.memory_space<hbm>> -> memref<8x2048xf32, #tpu.memory_space<hbm>>
        tpu.wait_dma2 semaphore(%arg20 : memref<!tpu.dma_semaphore, #tpu.memory_space<semaphore_mem>>) src(%arg9 : memref<8x2048xf32, #tpu.memory_space<vmem>>) dst(%dma_wait3A_294 : memref<8x2048xf32, #tpu.memory_space<hbm>>)
      } else {
      }
      %ge3A_151 = arith.constant 5 : i32
      %ge3A_152 = arith.cmpi sge, %add3A_143, %ge3A_151 : i32
      %lt3A_153 = arith.constant 64 : i32
      %lt3A_154 = arith.cmpi slt, %add3A_143, %lt3A_153 : i32
      %and3A_155 = arith.andi %ge3A_152, %lt3A_154 : i1
      %convert_element_type3A_156 = arith.extui %and3A_155 : i1 to i32
      %cond3A_157 = arith.constant 0 : i32
      %cond3A_158 = arith.cmpi ne, %convert_element_type3A_156, %cond3A_157 : i32
      scf.if %cond3A_158 {
        %mul3A_289 = arith.constant 8 : i32
        %mul3A_290 = arith.muli %add3A_143, %mul3A_289 : i32
        %dma_start3A_291 = tpu.memref_slice %arg6[%mul3A_290] : memref<512xi32, #tpu.memory_space<vmem>> -> memref<8xi32, #tpu.memory_space<vmem>>
        %dma_start3A_292 = arith.constant 0 : i32
        %dma_start3A_293 = arith.constant 0 : i32
        %dma_start3A_294 = tpu.memref_slice %arg3[%dma_start3A_292, %dma_start3A_293] : memref<33000x2048xf32, #tpu.memory_space<hbm>> -> memref<33000x2048xf32, #tpu.memory_space<hbm>>
        tpu.enqueue_indirect_dma source(%dma_start3A_294 : memref<33000x2048xf32, #tpu.memory_space<hbm>>) target(%arg9 : memref<8x2048xf32, #tpu.memory_space<vmem>>) offsets(%dma_start3A_291 : memref<8xi32, #tpu.memory_space<vmem>>) semaphore(%arg15 : memref<!tpu.dma_semaphore, #tpu.memory_space<semaphore_mem>>)
      } else {
      }
      %ge3A_159 = arith.constant 2 : i32
      %ge3A_160 = arith.cmpi sge, %add3A_143, %ge3A_159 : i32
      %sub3A_161 = arith.constant 2 : i32
      %sub3A_162 = arith.subi %add3A_143, %sub3A_161 : i32
      %lt3A_163 = arith.constant 64 : i32
      %lt3A_164 = arith.cmpi slt, %sub3A_162, %lt3A_163 : i32
      %and3A_165 = arith.andi %ge3A_160, %lt3A_164 : i1
      %convert_element_type3A_166 = arith.extui %and3A_165 : i1 to i32
      %cond3A_167 = arith.constant 0 : i32
      %cond3A_168 = arith.cmpi ne, %convert_element_type3A_166, %cond3A_167 : i32
      scf.if %cond3A_168 {
        %dma_wait3A_289 = arith.constant 0 : i32
        %dma_wait3A_290 = tpu.memref_slice %arg6[%dma_wait3A_289] : memref<512xi32, #tpu.memory_space<vmem>> -> memref<8xi32, #tpu.memory_space<vmem>>
        %dma_wait3A_291 = arith.constant 0 : i32
        %dma_wait3A_292 = arith.constant 0 : i32
        %dma_wait3A_293 = tpu.memref_slice %arg3[%dma_wait3A_291, %dma_wait3A_292] : memref<33000x2048xf32, #tpu.memory_space<hbm>> -> memref<33000x2048xf32, #tpu.memory_space<hbm>>
        tpu.wait_indirect_dma semaphore(%arg18 : memref<!tpu.dma_semaphore, #tpu.memory_space<semaphore_mem>>) src(%dma_wait3A_293 : memref<33000x2048xf32, #tpu.memory_space<hbm>>) dst(%arg12 : memref<8x2048xf32, #tpu.memory_space<vmem>>)
        %sub3A_294 = arith.constant 2 : i32
        %sub3A_295 = arith.subi %add3A_143, %sub3A_294 : i32
        %mul3A_296 = arith.constant 8 : i32
        %mul3A_297 = arith.muli %sub3A_295, %mul3A_296 : i32
        %add3A_298 = arith.addi %mul3A_2, %mul3A_297 : i32
        %dma_start3A_299 = arith.constant 0 : i32
        %dma_start3A_300 = tpu.memref_slice %arg5[%add3A_298, %dma_start3A_299] : memref<16384x2048xf32, #tpu.memory_space<hbm>> -> memref<8x2048xf32, #tpu.memory_space<hbm>>
        %dma_start3A_301 = arith.constant 0 : i32
        %dma_start3A_302 = tpu.memref_slice %arg5[%add3A_298, %dma_start3A_301] : memref<16384x2048xf32, #tpu.memory_space<hbm>> -> memref<8x2048xf32, #tpu.memory_space<hbm>>
        tpu.enqueue_dma source(%arg12 : memref<8x2048xf32, #tpu.memory_space<vmem>>) target(%dma_start3A_302 : memref<8x2048xf32, #tpu.memory_space<hbm>>) target_semaphore(%arg23 : memref<!tpu.dma_semaphore, #tpu.memory_space<semaphore_mem>>)
      } else {
      }
      %mul3A_169 = arith.constant 5 : i32
      %mul3A_170 = arith.muli %scan3A_139, %mul3A_169 : i32
      %add3A_171 = arith.constant 1 : i32
      %add3A_172 = arith.addi %mul3A_170, %add3A_171 : i32
      %ge3A_173 = arith.constant 5 : i32
      %ge3A_174 = arith.cmpi sge, %add3A_172, %ge3A_173 : i32
      %lt3A_175 = arith.constant 64 : i32
      %lt3A_176 = arith.cmpi slt, %add3A_172, %lt3A_175 : i32
      %and3A_177 = arith.andi %ge3A_174, %lt3A_176 : i1
      %convert_element_type3A_178 = arith.extui %and3A_177 : i1 to i32
      %cond3A_179 = arith.constant 0 : i32
      %cond3A_180 = arith.cmpi ne, %convert_element_type3A_178, %cond3A_179 : i32
      scf.if %cond3A_180 {
        %dma_wait3A_289 = arith.constant 0 : i32
        %dma_wait3A_290 = arith.constant 0 : i32
        %dma_wait3A_291 = tpu.memref_slice %arg5[%dma_wait3A_289, %dma_wait3A_290] : memref<16384x2048xf32, #tpu.memory_space<hbm>> -> memref<8x2048xf32, #tpu.memory_space<hbm>>
        %dma_wait3A_292 = arith.constant 0 : i32
        %dma_wait3A_293 = arith.constant 0 : i32
        %dma_wait3A_294 = tpu.memref_slice %arg5[%dma_wait3A_292, %dma_wait3A_293] : memref<16384x2048xf32, #tpu.memory_space<hbm>> -> memref<8x2048xf32, #tpu.memory_space<hbm>>
        tpu.wait_dma2 semaphore(%arg21 : memref<!tpu.dma_semaphore, #tpu.memory_space<semaphore_mem>>) src(%arg10 : memref<8x2048xf32, #tpu.memory_space<vmem>>) dst(%dma_wait3A_294 : memref<8x2048xf32, #tpu.memory_space<hbm>>)
      } else {
      }
      %ge3A_181 = arith.constant 5 : i32
      %ge3A_182 = arith.cmpi sge, %add3A_172, %ge3A_181 : i32
      %lt3A_183 = arith.constant 64 : i32
      %lt3A_184 = arith.cmpi slt, %add3A_172, %lt3A_183 : i32
      %and3A_185 = arith.andi %ge3A_182, %lt3A_184 : i1
      %convert_element_type3A_186 = arith.extui %and3A_185 : i1 to i32
      %cond3A_187 = arith.constant 0 : i32
      %cond3A_188 = arith.cmpi ne, %convert_element_type3A_186, %cond3A_187 : i32
      scf.if %cond3A_188 {
        %mul3A_289 = arith.constant 8 : i32
        %mul3A_290 = arith.muli %add3A_172, %mul3A_289 : i32
        %dma_start3A_291 = tpu.memref_slice %arg6[%mul3A_290] : memref<512xi32, #tpu.memory_space<vmem>> -> memref<8xi32, #tpu.memory_space<vmem>>
        %dma_start3A_292 = arith.constant 0 : i32
        %dma_start3A_293 = arith.constant 0 : i32
        %dma_start3A_294 = tpu.memref_slice %arg3[%dma_start3A_292, %dma_start3A_293] : memref<33000x2048xf32, #tpu.memory_space<hbm>> -> memref<33000x2048xf32, #tpu.memory_space<hbm>>
        tpu.enqueue_indirect_dma source(%dma_start3A_294 : memref<33000x2048xf32, #tpu.memory_space<hbm>>) target(%arg10 : memref<8x2048xf32, #tpu.memory_space<vmem>>) offsets(%dma_start3A_291 : memref<8xi32, #tpu.memory_space<vmem>>) semaphore(%arg16 : memref<!tpu.dma_semaphore, #tpu.memory_space<semaphore_mem>>)
      } else {
      }
      %ge3A_189 = arith.constant 2 : i32
      %ge3A_190 = arith.cmpi sge, %add3A_172, %ge3A_189 : i32
      %sub3A_191 = arith.constant 2 : i32
      %sub3A_192 = arith.subi %add3A_172, %sub3A_191 : i32
      %lt3A_193 = arith.constant 64 : i32
      %lt3A_194 = arith.cmpi slt, %sub3A_192, %lt3A_193 : i32
      %and3A_195 = arith.andi %ge3A_190, %lt3A_194 : i1
      %convert_element_type3A_196 = arith.extui %and3A_195 : i1 to i32
      %cond3A_197 = arith.constant 0 : i32
      %cond3A_198 = arith.cmpi ne, %convert_element_type3A_196, %cond3A_197 : i32
      scf.if %cond3A_198 {
        %dma_wait3A_289 = arith.constant 0 : i32
        %dma_wait3A_290 = tpu.memref_slice %arg6[%dma_wait3A_289] : memref<512xi32, #tpu.memory_space<vmem>> -> memref<8xi32, #tpu.memory_space<vmem>>
        %dma_wait3A_291 = arith.constant 0 : i32
        %dma_wait3A_292 = arith.constant 0 : i32
        %dma_wait3A_293 = tpu.memref_slice %arg3[%dma_wait3A_291, %dma_wait3A_292] : memref<33000x2048xf32, #tpu.memory_space<hbm>> -> memref<33000x2048xf32, #tpu.memory_space<hbm>>
        tpu.wait_indirect_dma semaphore(%arg19 : memref<!tpu.dma_semaphore, #tpu.memory_space<semaphore_mem>>) src(%dma_wait3A_293 : memref<33000x2048xf32, #tpu.memory_space<hbm>>) dst(%arg13 : memref<8x2048xf32, #tpu.memory_space<vmem>>)
        %sub3A_294 = arith.constant 2 : i32
        %sub3A_295 = arith.subi %add3A_172, %sub3A_294 : i32
        %mul3A_296 = arith.constant 8 : i32
        %mul3A_297 = arith.muli %sub3A_295, %mul3A_296 : i32
        %add3A_298 = arith.addi %mul3A_2, %mul3A_297 : i32
        %dma_start3A_299 = arith.constant 0 : i32
        %dma_start3A_300 = tpu.memref_slice %arg5[%add3A_298, %dma_start3A_299] : memref<16384x2048xf32, #tpu.memory_space<hbm>> -> memref<8x2048xf32, #tpu.memory_space<hbm>>
        %dma_start3A_301 = arith.constant 0 : i32
        %dma_start3A_302 = tpu.memref_slice %arg5[%add3A_298, %dma_start3A_301] : memref<16384x2048xf32, #tpu.memory_space<hbm>> -> memref<8x2048xf32, #tpu.memory_space<hbm>>
        tpu.enqueue_dma source(%arg13 : memref<8x2048xf32, #tpu.memory_space<vmem>>) target(%dma_start3A_302 : memref<8x2048xf32, #tpu.memory_space<hbm>>) target_semaphore(%arg24 : memref<!tpu.dma_semaphore, #tpu.memory_space<semaphore_mem>>)
      } else {
      }
      %mul3A_199 = arith.constant 5 : i32
      %mul3A_200 = arith.muli %scan3A_139, %mul3A_199 : i32
      %add3A_201 = arith.constant 2 : i32
      %add3A_202 = arith.addi %mul3A_200, %add3A_201 : i32
      %ge3A_203 = arith.constant 5 : i32
      %ge3A_204 = arith.cmpi sge, %add3A_202, %ge3A_203 : i32
      %lt3A_205 = arith.constant 64 : i32
      %lt3A_206 = arith.cmpi slt, %add3A_202, %lt3A_205 : i32
      %and3A_207 = arith.andi %ge3A_204, %lt3A_206 : i1
      %convert_element_type3A_208 = arith.extui %and3A_207 : i1 to i32
      %cond3A_209 = arith.constant 0 : i32
      %cond3A_210 = arith.cmpi ne, %convert_element_type3A_208, %cond3A_209 : i32
      scf.if %cond3A_210 {
        %dma_wait3A_289 = arith.constant 0 : i32
        %dma_wait3A_290 = arith.constant 0 : i32
        %dma_wait3A_291 = tpu.memref_slice %arg5[%dma_wait3A_289, %dma_wait3A_290] : memref<16384x2048xf32, #tpu.memory_space<hbm>> -> memref<8x2048xf32, #tpu.memory_space<hbm>>
        %dma_wait3A_292 = arith.constant 0 : i32
        %dma_wait3A_293 = arith.constant 0 : i32
        %dma_wait3A_294 = tpu.memref_slice %arg5[%dma_wait3A_292, %dma_wait3A_293] : memref<16384x2048xf32, #tpu.memory_space<hbm>> -> memref<8x2048xf32, #tpu.memory_space<hbm>>
        tpu.wait_dma2 semaphore(%arg22 : memref<!tpu.dma_semaphore, #tpu.memory_space<semaphore_mem>>) src(%arg11 : memref<8x2048xf32, #tpu.memory_space<vmem>>) dst(%dma_wait3A_294 : memref<8x2048xf32, #tpu.memory_space<hbm>>)
      } else {
      }
      %ge3A_211 = arith.constant 5 : i32
      %ge3A_212 = arith.cmpi sge, %add3A_202, %ge3A_211 : i32
      %lt3A_213 = arith.constant 64 : i32
      %lt3A_214 = arith.cmpi slt, %add3A_202, %lt3A_213 : i32
      %and3A_215 = arith.andi %ge3A_212, %lt3A_214 : i1
      %convert_element_type3A_216 = arith.extui %and3A_215 : i1 to i32
      %cond3A_217 = arith.constant 0 : i32
      %cond3A_218 = arith.cmpi ne, %convert_element_type3A_216, %cond3A_217 : i32
      scf.if %cond3A_218 {
        %mul3A_289 = arith.constant 8 : i32
        %mul3A_290 = arith.muli %add3A_202, %mul3A_289 : i32
        %dma_start3A_291 = tpu.memref_slice %arg6[%mul3A_290] : memref<512xi32, #tpu.memory_space<vmem>> -> memref<8xi32, #tpu.memory_space<vmem>>
        %dma_start3A_292 = arith.constant 0 : i32
        %dma_start3A_293 = arith.constant 0 : i32
        %dma_start3A_294 = tpu.memref_slice %arg3[%dma_start3A_292, %dma_start3A_293] : memref<33000x2048xf32, #tpu.memory_space<hbm>> -> memref<33000x2048xf32, #tpu.memory_space<hbm>>
        tpu.enqueue_indirect_dma source(%dma_start3A_294 : memref<33000x2048xf32, #tpu.memory_space<hbm>>) target(%arg11 : memref<8x2048xf32, #tpu.memory_space<vmem>>) offsets(%dma_start3A_291 : memref<8xi32, #tpu.memory_space<vmem>>) semaphore(%arg17 : memref<!tpu.dma_semaphore, #tpu.memory_space<semaphore_mem>>)
      } else {
      }
      %ge3A_219 = arith.constant 2 : i32
      %ge3A_220 = arith.cmpi sge, %add3A_202, %ge3A_219 : i32
      %sub3A_221 = arith.constant 2 : i32
      %sub3A_222 = arith.subi %add3A_202, %sub3A_221 : i32
      %lt3A_223 = arith.constant 64 : i32
      %lt3A_224 = arith.cmpi slt, %sub3A_222, %lt3A_223 : i32
      %and3A_225 = arith.andi %ge3A_220, %lt3A_224 : i1
      %convert_element_type3A_226 = arith.extui %and3A_225 : i1 to i32
      %cond3A_227 = arith.constant 0 : i32
      %cond3A_228 = arith.cmpi ne, %convert_element_type3A_226, %cond3A_227 : i32
      scf.if %cond3A_228 {
        %dma_wait3A_289 = arith.constant 0 : i32
        %dma_wait3A_290 = tpu.memref_slice %arg6[%dma_wait3A_289] : memref<512xi32, #tpu.memory_space<vmem>> -> memref<8xi32, #tpu.memory_space<vmem>>
        %dma_wait3A_291 = arith.constant 0 : i32
        %dma_wait3A_292 = arith.constant 0 : i32
        %dma_wait3A_293 = tpu.memref_slice %arg3[%dma_wait3A_291, %dma_wait3A_292] : memref<33000x2048xf32, #tpu.memory_space<hbm>> -> memref<33000x2048xf32, #tpu.memory_space<hbm>>
        tpu.wait_indirect_dma semaphore(%arg15 : memref<!tpu.dma_semaphore, #tpu.memory_space<semaphore_mem>>) src(%dma_wait3A_293 : memref<33000x2048xf32, #tpu.memory_space<hbm>>) dst(%arg9 : memref<8x2048xf32, #tpu.memory_space<vmem>>)
        %sub3A_294 = arith.constant 2 : i32
        %sub3A_295 = arith.subi %add3A_202, %sub3A_294 : i32
        %mul3A_296 = arith.constant 8 : i32
        %mul3A_297 = arith.muli %sub3A_295, %mul3A_296 : i32
        %add3A_298 = arith.addi %mul3A_2, %mul3A_297 : i32
        %dma_start3A_299 = arith.constant 0 : i32
        %dma_start3A_300 = tpu.memref_slice %arg5[%add3A_298, %dma_start3A_299] : memref<16384x2048xf32, #tpu.memory_space<hbm>> -> memref<8x2048xf32, #tpu.memory_space<hbm>>
        %dma_start3A_301 = arith.constant 0 : i32
        %dma_start3A_302 = tpu.memref_slice %arg5[%add3A_298, %dma_start3A_301] : memref<16384x2048xf32, #tpu.memory_space<hbm>> -> memref<8x2048xf32, #tpu.memory_space<hbm>>
        tpu.enqueue_dma source(%arg9 : memref<8x2048xf32, #tpu.memory_space<vmem>>) target(%dma_start3A_302 : memref<8x2048xf32, #tpu.memory_space<hbm>>) target_semaphore(%arg20 : memref<!tpu.dma_semaphore, #tpu.memory_space<semaphore_mem>>)
      } else {
      }
      %mul3A_229 = arith.constant 5 : i32
      %mul3A_230 = arith.muli %scan3A_139, %mul3A_229 : i32
      %add3A_231 = arith.constant 3 : i32
      %add3A_232 = arith.addi %mul3A_230, %add3A_231 : i32
      %ge3A_233 = arith.constant 5 : i32
      %ge3A_234 = arith.cmpi sge, %add3A_232, %ge3A_233 : i32
      %lt3A_235 = arith.constant 64 : i32
      %lt3A_236 = arith.cmpi slt, %add3A_232, %lt3A_235 : i32
      %and3A_237 = arith.andi %ge3A_234, %lt3A_236 : i1
      %convert_element_type3A_238 = arith.extui %and3A_237 : i1 to i32
      %cond3A_239 = arith.constant 0 : i32
      %cond3A_240 = arith.cmpi ne, %convert_element_type3A_238, %cond3A_239 : i32
      scf.if %cond3A_240 {
        %dma_wait3A_289 = arith.constant 0 : i32
        %dma_wait3A_290 = arith.constant 0 : i32
        %dma_wait3A_291 = tpu.memref_slice %arg5[%dma_wait3A_289, %dma_wait3A_290] : memref<16384x2048xf32, #tpu.memory_space<hbm>> -> memref<8x2048xf32, #tpu.memory_space<hbm>>
        %dma_wait3A_292 = arith.constant 0 : i32
        %dma_wait3A_293 = arith.constant 0 : i32
        %dma_wait3A_294 = tpu.memref_slice %arg5[%dma_wait3A_292, %dma_wait3A_293] : memref<16384x2048xf32, #tpu.memory_space<hbm>> -> memref<8x2048xf32, #tpu.memory_space<hbm>>
        tpu.wait_dma2 semaphore(%arg23 : memref<!tpu.dma_semaphore, #tpu.memory_space<semaphore_mem>>) src(%arg12 : memref<8x2048xf32, #tpu.memory_space<vmem>>) dst(%dma_wait3A_294 : memref<8x2048xf32, #tpu.memory_space<hbm>>)
      } else {
      }
      %ge3A_241 = arith.constant 5 : i32
      %ge3A_242 = arith.cmpi sge, %add3A_232, %ge3A_241 : i32
      %lt3A_243 = arith.constant 64 : i32
      %lt3A_244 = arith.cmpi slt, %add3A_232, %lt3A_243 : i32
      %and3A_245 = arith.andi %ge3A_242, %lt3A_244 : i1
      %convert_element_type3A_246 = arith.extui %and3A_245 : i1 to i32
      %cond3A_247 = arith.constant 0 : i32
      %cond3A_248 = arith.cmpi ne, %convert_element_type3A_246, %cond3A_247 : i32
      scf.if %cond3A_248 {
        %mul3A_289 = arith.constant 8 : i32
        %mul3A_290 = arith.muli %add3A_232, %mul3A_289 : i32
        %dma_start3A_291 = tpu.memref_slice %arg6[%mul3A_290] : memref<512xi32, #tpu.memory_space<vmem>> -> memref<8xi32, #tpu.memory_space<vmem>>
        %dma_start3A_292 = arith.constant 0 : i32
        %dma_start3A_293 = arith.constant 0 : i32
        %dma_start3A_294 = tpu.memref_slice %arg3[%dma_start3A_292, %dma_start3A_293] : memref<33000x2048xf32, #tpu.memory_space<hbm>> -> memref<33000x2048xf32, #tpu.memory_space<hbm>>
        tpu.enqueue_indirect_dma source(%dma_start3A_294 : memref<33000x2048xf32, #tpu.memory_space<hbm>>) target(%arg12 : memref<8x2048xf32, #tpu.memory_space<vmem>>) offsets(%dma_start3A_291 : memref<8xi32, #tpu.memory_space<vmem>>) semaphore(%arg18 : memref<!tpu.dma_semaphore, #tpu.memory_space<semaphore_mem>>)
      } else {
      }
      %ge3A_249 = arith.constant 2 : i32
      %ge3A_250 = arith.cmpi sge, %add3A_232, %ge3A_249 : i32
      %sub3A_251 = arith.constant 2 : i32
      %sub3A_252 = arith.subi %add3A_232, %sub3A_251 : i32
      %lt3A_253 = arith.constant 64 : i32
      %lt3A_254 = arith.cmpi slt, %sub3A_252, %lt3A_253 : i32
      %and3A_255 = arith.andi %ge3A_250, %lt3A_254 : i1
      %convert_element_type3A_256 = arith.extui %and3A_255 : i1 to i32
      %cond3A_257 = arith.constant 0 : i32
      %cond3A_258 = arith.cmpi ne, %convert_element_type3A_256, %cond3A_257 : i32
      scf.if %cond3A_258 {
        %dma_wait3A_289 = arith.constant 0 : i32
        %dma_wait3A_290 = tpu.memref_slice %arg6[%dma_wait3A_289] : memref<512xi32, #tpu.memory_space<vmem>> -> memref<8xi32, #tpu.memory_space<vmem>>
        %dma_wait3A_291 = arith.constant 0 : i32
        %dma_wait3A_292 = arith.constant 0 : i32
        %dma_wait3A_293 = tpu.memref_slice %arg3[%dma_wait3A_291, %dma_wait3A_292] : memref<33000x2048xf32, #tpu.memory_space<hbm>> -> memref<33000x2048xf32, #tpu.memory_space<hbm>>
        tpu.wait_indirect_dma semaphore(%arg16 : memref<!tpu.dma_semaphore, #tpu.memory_space<semaphore_mem>>) src(%dma_wait3A_293 : memref<33000x2048xf32, #tpu.memory_space<hbm>>) dst(%arg10 : memref<8x2048xf32, #tpu.memory_space<vmem>>)
        %sub3A_294 = arith.constant 2 : i32
        %sub3A_295 = arith.subi %add3A_232, %sub3A_294 : i32
        %mul3A_296 = arith.constant 8 : i32
        %mul3A_297 = arith.muli %sub3A_295, %mul3A_296 : i32
        %add3A_298 = arith.addi %mul3A_2, %mul3A_297 : i32
        %dma_start3A_299 = arith.constant 0 : i32
        %dma_start3A_300 = tpu.memref_slice %arg5[%add3A_298, %dma_start3A_299] : memref<16384x2048xf32, #tpu.memory_space<hbm>> -> memref<8x2048xf32, #tpu.memory_space<hbm>>
        %dma_start3A_301 = arith.constant 0 : i32
        %dma_start3A_302 = tpu.memref_slice %arg5[%add3A_298, %dma_start3A_301] : memref<16384x2048xf32, #tpu.memory_space<hbm>> -> memref<8x2048xf32, #tpu.memory_space<hbm>>
        tpu.enqueue_dma source(%arg10 : memref<8x2048xf32, #tpu.memory_space<vmem>>) target(%dma_start3A_302 : memref<8x2048xf32, #tpu.memory_space<hbm>>) target_semaphore(%arg21 : memref<!tpu.dma_semaphore, #tpu.memory_space<semaphore_mem>>)
      } else {
      }
      %mul3A_259 = arith.constant 5 : i32
      %mul3A_260 = arith.muli %scan3A_139, %mul3A_259 : i32
      %add3A_261 = arith.constant 4 : i32
      %add3A_262 = arith.addi %mul3A_260, %add3A_261 : i32
      %ge3A_263 = arith.constant 5 : i32
      %ge3A_264 = arith.cmpi sge, %add3A_262, %ge3A_263 : i32
      %lt3A_265 = arith.constant 64 : i32
      %lt3A_266 = arith.cmpi slt, %add3A_262, %lt3A_265 : i32
      %and3A_267 = arith.andi %ge3A_264, %lt3A_266 : i1
      %convert_element_type3A_268 = arith.extui %and3A_267 : i1 to i32
      %cond3A_269 = arith.constant 0 : i32
      %cond3A_270 = arith.cmpi ne, %convert_element_type3A_268, %cond3A_269 : i32
      scf.if %cond3A_270 {
        %dma_wait3A_289 = arith.constant 0 : i32
        %dma_wait3A_290 = arith.constant 0 : i32
        %dma_wait3A_291 = tpu.memref_slice %arg5[%dma_wait3A_289, %dma_wait3A_290] : memref<16384x2048xf32, #tpu.memory_space<hbm>> -> memref<8x2048xf32, #tpu.memory_space<hbm>>
        %dma_wait3A_292 = arith.constant 0 : i32
        %dma_wait3A_293 = arith.constant 0 : i32
        %dma_wait3A_294 = tpu.memref_slice %arg5[%dma_wait3A_292, %dma_wait3A_293] : memref<16384x2048xf32, #tpu.memory_space<hbm>> -> memref<8x2048xf32, #tpu.memory_space<hbm>>
        tpu.wait_dma2 semaphore(%arg24 : memref<!tpu.dma_semaphore, #tpu.memory_space<semaphore_mem>>) src(%arg13 : memref<8x2048xf32, #tpu.memory_space<vmem>>) dst(%dma_wait3A_294 : memref<8x2048xf32, #tpu.memory_space<hbm>>)
      } else {
      }
      %ge3A_271 = arith.constant 5 : i32
      %ge3A_272 = arith.cmpi sge, %add3A_262, %ge3A_271 : i32
      %lt3A_273 = arith.constant 64 : i32
      %lt3A_274 = arith.cmpi slt, %add3A_262, %lt3A_273 : i32
      %and3A_275 = arith.andi %ge3A_272, %lt3A_274 : i1
      %convert_element_type3A_276 = arith.extui %and3A_275 : i1 to i32
      %cond3A_277 = arith.constant 0 : i32
      %cond3A_278 = arith.cmpi ne, %convert_element_type3A_276, %cond3A_277 : i32
      scf.if %cond3A_278 {
        %mul3A_289 = arith.constant 8 : i32
        %mul3A_290 = arith.muli %add3A_262, %mul3A_289 : i32
        %dma_start3A_291 = tpu.memref_slice %arg6[%mul3A_290] : memref<512xi32, #tpu.memory_space<vmem>> -> memref<8xi32, #tpu.memory_space<vmem>>
        %dma_start3A_292 = arith.constant 0 : i32
        %dma_start3A_293 = arith.constant 0 : i32
        %dma_start3A_294 = tpu.memref_slice %arg3[%dma_start3A_292, %dma_start3A_293] : memref<33000x2048xf32, #tpu.memory_space<hbm>> -> memref<33000x2048xf32, #tpu.memory_space<hbm>>
        tpu.enqueue_indirect_dma source(%dma_start3A_294 : memref<33000x2048xf32, #tpu.memory_space<hbm>>) target(%arg13 : memref<8x2048xf32, #tpu.memory_space<vmem>>) offsets(%dma_start3A_291 : memref<8xi32, #tpu.memory_space<vmem>>) semaphore(%arg19 : memref<!tpu.dma_semaphore, #tpu.memory_space<semaphore_mem>>)
      } else {
      }
      %ge3A_279 = arith.constant 2 : i32
      %ge3A_280 = arith.cmpi sge, %add3A_262, %ge3A_279 : i32
      %sub3A_281 = arith.constant 2 : i32
      %sub3A_282 = arith.subi %add3A_262, %sub3A_281 : i32
      %lt3A_283 = arith.constant 64 : i32
      %lt3A_284 = arith.cmpi slt, %sub3A_282, %lt3A_283 : i32
      %and3A_285 = arith.andi %ge3A_280, %lt3A_284 : i1
      %convert_element_type3A_286 = arith.extui %and3A_285 : i1 to i32
      %cond3A_287 = arith.constant 0 : i32
      %cond3A_288 = arith.cmpi ne, %convert_element_type3A_286, %cond3A_287 : i32
      scf.if %cond3A_288 {
        %dma_wait3A_289 = arith.constant 0 : i32
        %dma_wait3A_290 = tpu.memref_slice %arg6[%dma_wait3A_289] : memref<512xi32, #tpu.memory_space<vmem>> -> memref<8xi32, #tpu.memory_space<vmem>>
        %dma_wait3A_291 = arith.constant 0 : i32
        %dma_wait3A_292 = arith.constant 0 : i32
        %dma_wait3A_293 = tpu.memref_slice %arg3[%dma_wait3A_291, %dma_wait3A_292] : memref<33000x2048xf32, #tpu.memory_space<hbm>> -> memref<33000x2048xf32, #tpu.memory_space<hbm>>
        tpu.wait_indirect_dma semaphore(%arg17 : memref<!tpu.dma_semaphore, #tpu.memory_space<semaphore_mem>>) src(%dma_wait3A_293 : memref<33000x2048xf32, #tpu.memory_space<hbm>>) dst(%arg11 : memref<8x2048xf32, #tpu.memory_space<vmem>>)
        %sub3A_294 = arith.constant 2 : i32
        %sub3A_295 = arith.subi %add3A_262, %sub3A_294 : i32
        %mul3A_296 = arith.constant 8 : i32
        %mul3A_297 = arith.muli %sub3A_295, %mul3A_296 : i32
        %add3A_298 = arith.addi %mul3A_2, %mul3A_297 : i32
        %dma_start3A_299 = arith.constant 0 : i32
        %dma_start3A_300 = tpu.memref_slice %arg5[%add3A_298, %dma_start3A_299] : memref<16384x2048xf32, #tpu.memory_space<hbm>> -> memref<8x2048xf32, #tpu.memory_space<hbm>>
        %dma_start3A_301 = arith.constant 0 : i32
        %dma_start3A_302 = tpu.memref_slice %arg5[%add3A_298, %dma_start3A_301] : memref<16384x2048xf32, #tpu.memory_space<hbm>> -> memref<8x2048xf32, #tpu.memory_space<hbm>>
        tpu.enqueue_dma source(%arg11 : memref<8x2048xf32, #tpu.memory_space<vmem>>) target(%dma_start3A_302 : memref<8x2048xf32, #tpu.memory_space<hbm>>) target_semaphore(%arg22 : memref<!tpu.dma_semaphore, #tpu.memory_space<semaphore_mem>>)
      } else {
      }
    }
    %scan3A_98 = arith.constant 13 : i32
    %gt3A = arith.constant 0 : i32
    %gt3A_99 = arith.cmpi sgt, %select_n3A_92, %gt3A : i32
    %convert_element_type3A = arith.extui %gt3A_99 : i1 to i32
    %cond3A = arith.constant 0 : i32
    %cond3A_100 = arith.cmpi ne, %convert_element_type3A, %cond3A : i32
    scf.if %cond3A_100 {
      %add3A_139 = arith.constant 0 : i32
      %add3A_140 = vector.broadcast %add3A_139 : i32 to vector<16xi32>
      %add3A_141 = arith.addi %add3A_140, %iota3A : vector<16xi32>
      %lt3A_142 = vector.broadcast %squeeze3A : i32 to vector<16xi32>
      %lt3A_143 = arith.cmpi slt, %add3A_141, %lt3A_142 : vector<16xi32>
      %sub3A_144 = arith.constant 1 : i32
      %sub3A_145 = arith.subi %squeeze3A, %sub3A_144 : i32
      %sub3A_146 = arith.constant 0 : i32
      %sub3A_147 = arith.subi %sub3A_145, %sub3A_146 : i32
      %jit3A_148 = arith.constant 0 : i32
      %jit3A_149 = arith.constant 15 : i32
      %max3A = arith.maxsi %jit3A_148, %sub3A_147 : i32
      %min3A = arith.minsi %jit3A_149, %max3A : i32
      %get3A = arith.constant 0 : index
      %get3A_150 = tpu.vector_load %arg8[%get3A] {strides = array<i32>} : memref<512xi32, #tpu.memory_space<vmem>>, vector<16xi32>,
      %get3A_151 = arith.constant 0 : index
      %get3A_152 = tpu.vector_load %arg7[%get3A_151] {strides = array<i32>} : memref<512xi32, #tpu.memory_space<vmem>>, vector<16xi32>,
      %broadcast_in_dim3A_153 = vector.broadcast %min3A : i32 to vector<16xi32>
      %broadcast_in_dim3A_154 = vector.shape_cast %broadcast_in_dim3A_153 : vector<16xi32> to vector<16x1xi32>
      %gather3A = vector.shape_cast %broadcast_in_dim3A_154 : vector<16x1xi32> to vector<16xi32>
      %gather3A_155 = tpu.dynamic_gather %get3A_150[%gather3A] in [0] : vector<16xi32>, vector<16xi32> -> vector<16xi32>
      %select_n3A_156 = arith.select %lt3A_143, %get3A_150, %gather3A_155 : vector<16xi1>, vector<16xi32>
      %broadcast_in_dim3A_157 = vector.broadcast %min3A : i32 to vector<16xi32>
      %broadcast_in_dim3A_158 = vector.shape_cast %broadcast_in_dim3A_157 : vector<16xi32> to vector<16x1xi32>
      %gather3A_159 = vector.shape_cast %broadcast_in_dim3A_158 : vector<16x1xi32> to vector<16xi32>
      %gather3A_160 = tpu.dynamic_gather %get3A_152[%gather3A_159] in [0] : vector<16xi32>, vector<16xi32> -> vector<16xi32>
      %select_n3A_161 = arith.select %lt3A_143, %get3A_152, %gather3A_160 : vector<16xi1>, vector<16xi32>
      %dma_start3A_162 = arith.constant 0 : i32
      %dma_start3A_163 = arith.constant 0 : i32
      %dma_start3A_164 = tpu.memref_slice %arg4[%dma_start3A_162, %dma_start3A_163] : memref<1000x2048xf32, #tpu.memory_space<hbm>> -> memref<1000x2048xf32, #tpu.memory_space<hbm>>
      tpu.enqueue_indirect_dma source(%dma_start3A_164 : memref<1000x2048xf32, #tpu.memory_space<hbm>>) target(%arg14 : memref<16x2048xf32, #tpu.memory_space<vmem>>) offsets(%select_n3A_156 : vector<16xi32>) semaphore(%arg25 : memref<!tpu.dma_semaphore, #tpu.memory_space<semaphore_mem>>)
    } else {
    }
    %dma_wait3A = arith.constant 0 : i32
    %dma_wait3A_101 = arith.constant 0 : i32
    %dma_wait3A_102 = tpu.memref_slice %arg5[%dma_wait3A, %dma_wait3A_101] : memref<16384x2048xf32, #tpu.memory_space<hbm>> -> memref<8x2048xf32, #tpu.memory_space<hbm>>
    %dma_wait3A_103 = arith.constant 0 : i32
    %dma_wait3A_104 = arith.constant 0 : i32
    %dma_wait3A_105 = tpu.memref_slice %arg5[%dma_wait3A_103, %dma_wait3A_104] : memref<16384x2048xf32, #tpu.memory_space<hbm>> -> memref<8x2048xf32, #tpu.memory_space<hbm>>
    tpu.wait_dma2 semaphore(%arg20 : memref<!tpu.dma_semaphore, #tpu.memory_space<semaphore_mem>>) src(%arg9 : memref<8x2048xf32, #tpu.memory_space<vmem>>) dst(%dma_wait3A_105 : memref<8x2048xf32, #tpu.memory_space<hbm>>)
    %dma_wait3A_106 = arith.constant 0 : i32
    %dma_wait3A_107 = arith.constant 0 : i32
    %dma_wait3A_108 = tpu.memref_slice %arg5[%dma_wait3A_106, %dma_wait3A_107] : memref<16384x2048xf32, #tpu.memory_space<hbm>> -> memref<8x2048xf32, #tpu.memory_space<hbm>>
    %dma_wait3A_109 = arith.constant 0 : i32
    %dma_wait3A_110 = arith.constant 0 : i32
    %dma_wait3A_111 = tpu.memref_slice %arg5[%dma_wait3A_109, %dma_wait3A_110] : memref<16384x2048xf32, #tpu.memory_space<hbm>> -> memref<8x2048xf32, #tpu.memory_space<hbm>>
    tpu.wait_dma2 semaphore(%arg21 : memref<!tpu.dma_semaphore, #tpu.memory_space<semaphore_mem>>) src(%arg10 : memref<8x2048xf32, #tpu.memory_space<vmem>>) dst(%dma_wait3A_111 : memref<8x2048xf32, #tpu.memory_space<hbm>>)
    %dma_wait3A_112 = arith.constant 0 : i32
    %dma_wait3A_113 = arith.constant 0 : i32
    %dma_wait3A_114 = tpu.memref_slice %arg5[%dma_wait3A_112, %dma_wait3A_113] : memref<16384x2048xf32, #tpu.memory_space<hbm>> -> memref<8x2048xf32, #tpu.memory_space<hbm>>
    %dma_wait3A_115 = arith.constant 0 : i32
    %dma_wait3A_116 = arith.constant 0 : i32
    %dma_wait3A_117 = tpu.memref_slice %arg5[%dma_wait3A_115, %dma_wait3A_116] : memref<16384x2048xf32, #tpu.memory_space<hbm>> -> memref<8x2048xf32, #tpu.memory_space<hbm>>
    tpu.wait_dma2 semaphore(%arg22 : memref<!tpu.dma_semaphore, #tpu.memory_space<semaphore_mem>>) src(%arg11 : memref<8x2048xf32, #tpu.memory_space<vmem>>) dst(%dma_wait3A_117 : memref<8x2048xf32, #tpu.memory_space<hbm>>)
    %dma_wait3A_118 = arith.constant 0 : i32
    %dma_wait3A_119 = arith.constant 0 : i32
    %dma_wait3A_120 = tpu.memref_slice %arg5[%dma_wait3A_118, %dma_wait3A_119] : memref<16384x2048xf32, #tpu.memory_space<hbm>> -> memref<8x2048xf32, #tpu.memory_space<hbm>>
    %dma_wait3A_121 = arith.constant 0 : i32
    %dma_wait3A_122 = arith.constant 0 : i32
    %dma_wait3A_123 = tpu.memref_slice %arg5[%dma_wait3A_121, %dma_wait3A_122] : memref<16384x2048xf32, #tpu.memory_space<hbm>> -> memref<8x2048xf32, #tpu.memory_space<hbm>>
    tpu.wait_dma2 semaphore(%arg23 : memref<!tpu.dma_semaphore, #tpu.memory_space<semaphore_mem>>) src(%arg12 : memref<8x2048xf32, #tpu.memory_space<vmem>>) dst(%dma_wait3A_123 : memref<8x2048xf32, #tpu.memory_space<hbm>>)
    %dma_wait3A_124 = arith.constant 0 : i32
    %dma_wait3A_125 = arith.constant 0 : i32
    %dma_wait3A_126 = tpu.memref_slice %arg5[%dma_wait3A_124, %dma_wait3A_125] : memref<16384x2048xf32, #tpu.memory_space<hbm>> -> memref<8x2048xf32, #tpu.memory_space<hbm>>
    %dma_wait3A_127 = arith.constant 0 : i32
    %dma_wait3A_128 = arith.constant 0 : i32
    %dma_wait3A_129 = tpu.memref_slice %arg5[%dma_wait3A_127, %dma_wait3A_128] : memref<16384x2048xf32, #tpu.memory_space<hbm>> -> memref<8x2048xf32, #tpu.memory_space<hbm>>
    tpu.wait_dma2 semaphore(%arg24 : memref<!tpu.dma_semaphore, #tpu.memory_space<semaphore_mem>>) src(%arg13 : memref<8x2048xf32, #tpu.memory_space<vmem>>) dst(%dma_wait3A_129 : memref<8x2048xf32, #tpu.memory_space<hbm>>)
    %while3A = arith.constant 0 : i32
    %while3A_130 = arith.constant 0 : i32
    %while3A_131 = arith.subi %select_n3A_92, %while3A_130 : i32
    %while3A_132 = arith.addi %while3A_130, %while3A_131 : i32
    %while3A_133 = arith.constant 1 : i32
    %while3A_134 = arith.divsi %while3A_131, %while3A_133 : i32
    %while3A_135 = arith.muli %while3A_134, %while3A_133 : i32
    %while3A_136 = arith.addi %while3A_130, %while3A_135 : i32
    %while3A_137 = arith.constant 1 : i32
    scf.for %while3A_139 = %while3A_130 to %while3A_136 step %while3A_137  : i32 {
      %mul3A_140 = arith.constant 16 : i32
      %mul3A_141 = arith.muli %while3A_139, %mul3A_140 : i32
      %add3A_142 = vector.broadcast %mul3A_141 : i32 to vector<16xi32>
      %add3A_143 = arith.addi %add3A_142, %iota3A : vector<16xi32>
      %lt3A_144 = vector.broadcast %squeeze3A : i32 to vector<16xi32>
      %lt3A_145 = arith.cmpi slt, %add3A_143, %lt3A_144 : vector<16xi32>
      %sub3A_146 = arith.constant 1 : i32
      %sub3A_147 = arith.subi %squeeze3A, %sub3A_146 : i32
      %mul3A_148 = arith.constant 16 : i32
      %mul3A_149 = arith.muli %while3A_139, %mul3A_148 : i32
      %sub3A_150 = arith.subi %sub3A_147, %mul3A_149 : i32
      %jit3A_151 = arith.constant 0 : i32
      %jit3A_152 = arith.constant 15 : i32
      %max3A = arith.maxsi %jit3A_151, %sub3A_150 : i32
      %min3A = arith.minsi %jit3A_152, %max3A : i32
      %mul3A_153 = arith.constant 16 : i32
      %mul3A_154 = arith.muli %while3A_139, %mul3A_153 : i32
      %get3A = arith.index_cast %mul3A_154 : i32 to index
      %get3A_155 = tpu.vector_load %arg8[%get3A] {strides = array<i32>} : memref<512xi32, #tpu.memory_space<vmem>>, vector<16xi32>,
      %mul3A_156 = arith.constant 16 : i32
      %mul3A_157 = arith.muli %while3A_139, %mul3A_156 : i32
      %get3A_158 = arith.index_cast %mul3A_157 : i32 to index
      %get3A_159 = tpu.vector_load %arg7[%get3A_158] {strides = array<i32>} : memref<512xi32, #tpu.memory_space<vmem>>, vector<16xi32>,
      %broadcast_in_dim3A_160 = vector.broadcast %min3A : i32 to vector<16xi32>
      %broadcast_in_dim3A_161 = vector.shape_cast %broadcast_in_dim3A_160 : vector<16xi32> to vector<16x1xi32>
      %gather3A = vector.shape_cast %broadcast_in_dim3A_161 : vector<16x1xi32> to vector<16xi32>
      %gather3A_162 = tpu.dynamic_gather %get3A_155[%gather3A] in [0] : vector<16xi32>, vector<16xi32> -> vector<16xi32>
      %select_n3A_163 = arith.select %lt3A_145, %get3A_155, %gather3A_162 : vector<16xi1>, vector<16xi32>
      %broadcast_in_dim3A_164 = vector.broadcast %min3A : i32 to vector<16xi32>
      %broadcast_in_dim3A_165 = vector.shape_cast %broadcast_in_dim3A_164 : vector<16xi32> to vector<16x1xi32>
      %gather3A_166 = vector.shape_cast %broadcast_in_dim3A_165 : vector<16x1xi32> to vector<16xi32>
      %gather3A_167 = tpu.dynamic_gather %get3A_159[%gather3A_166] in [0] : vector<16xi32>, vector<16xi32> -> vector<16xi32>
      %select_n3A_168 = arith.select %lt3A_145, %get3A_159, %gather3A_167 : vector<16xi1>, vector<16xi32>
      %dma_wait3A_169 = arith.constant 0 : i32
      %dma_wait3A_170 = arith.constant 0 : i32
      %dma_wait3A_171 = tpu.memref_slice %arg4[%dma_wait3A_169, %dma_wait3A_170] : memref<1000x2048xf32, #tpu.memory_space<hbm>> -> memref<1000x2048xf32, #tpu.memory_space<hbm>>
      tpu.wait_indirect_dma semaphore(%arg25 : memref<!tpu.dma_semaphore, #tpu.memory_space<semaphore_mem>>) src(%dma_wait3A_171 : memref<1000x2048xf32, #tpu.memory_space<hbm>>) dst(%arg14 : memref<16x2048xf32, #tpu.memory_space<vmem>>)
      %dma_start3A_172 = arith.constant 0 : i32
      %dma_start3A_173 = arith.constant 0 : i32
      %dma_start3A_174 = tpu.memref_slice %arg5[%dma_start3A_172, %dma_start3A_173] : memref<16384x2048xf32, #tpu.memory_space<hbm>> -> memref<16384x2048xf32, #tpu.memory_space<hbm>>
      tpu.enqueue_indirect_dma source(%arg14 : memref<16x2048xf32, #tpu.memory_space<vmem>>) target(%dma_start3A_174 : memref<16384x2048xf32, #tpu.memory_space<hbm>>) offsets(%select_n3A_168 : vector<16xi32>) semaphore(%arg26 : memref<!tpu.dma_semaphore, #tpu.memory_space<semaphore_mem>>)
      %dma_wait3A_175 = arith.constant 0 : i32
      %dma_wait3A_176 = arith.constant 0 : i32
      %dma_wait3A_177 = tpu.memref_slice %arg5[%dma_wait3A_175, %dma_wait3A_176] : memref<16384x2048xf32, #tpu.memory_space<hbm>> -> memref<16384x2048xf32, #tpu.memory_space<hbm>>
      tpu.wait_indirect_dma semaphore(%arg26 : memref<!tpu.dma_semaphore, #tpu.memory_space<semaphore_mem>>) src(%arg14 : memref<16x2048xf32, #tpu.memory_space<vmem>>) dst(%dma_wait3A_177 : memref<16384x2048xf32, #tpu.memory_space<hbm>>)
      %add3A_178 = arith.constant 1 : i32
      %add3A_179 = arith.addi %while3A_139, %add3A_178 : i32
      %lt3A_180 = arith.cmpi slt, %add3A_179, %select_n3A_92 : i32
      %convert_element_type3A_181 = arith.extui %lt3A_180 : i1 to i32
      %cond3A_182 = arith.constant 0 : i32
      %cond3A_183 = arith.cmpi ne, %convert_element_type3A_181, %cond3A_182 : i32
      scf.if %cond3A_183 {
        %add3A_184 = arith.constant 1 : i32
        %add3A_185 = arith.addi %while3A_139, %add3A_184 : i32
        %mul3A_186 = arith.constant 16 : i32
        %mul3A_187 = arith.muli %add3A_185, %mul3A_186 : i32
        %add3A_188 = vector.broadcast %mul3A_187 : i32 to vector<16xi32>
        %add3A_189 = arith.addi %add3A_188, %iota3A : vector<16xi32>
        %lt3A_190 = vector.broadcast %squeeze3A : i32 to vector<16xi32>
        %lt3A_191 = arith.cmpi slt, %add3A_189, %lt3A_190 : vector<16xi32>
        %sub3A_192 = arith.constant 1 : i32
        %sub3A_193 = arith.subi %squeeze3A, %sub3A_192 : i32
        %mul3A_194 = arith.constant 16 : i32
        %mul3A_195 = arith.muli %add3A_185, %mul3A_194 : i32
        %sub3A_196 = arith.subi %sub3A_193, %mul3A_195 : i32
        %jit3A_197 = arith.constant 0 : i32
        %jit3A_198 = arith.constant 15 : i32
        %max3A_199 = arith.maxsi %jit3A_197, %sub3A_196 : i32
        %min3A_200 = arith.minsi %jit3A_198, %max3A_199 : i32
        %mul3A_201 = arith.constant 16 : i32
        %mul3A_202 = arith.muli %add3A_185, %mul3A_201 : i32
        %get3A_203 = arith.index_cast %mul3A_202 : i32 to index
        %get3A_204 = tpu.vector_load %arg8[%get3A_203] {strides = array<i32>} : memref<512xi32, #tpu.memory_space<vmem>>, vector<16xi32>,
        %mul3A_205 = arith.constant 16 : i32
        %mul3A_206 = arith.muli %add3A_185, %mul3A_205 : i32
        %get3A_207 = arith.index_cast %mul3A_206 : i32 to index
        %get3A_208 = tpu.vector_load %arg7[%get3A_207] {strides = array<i32>} : memref<512xi32, #tpu.memory_space<vmem>>, vector<16xi32>,
        %broadcast_in_dim3A_209 = vector.broadcast %min3A_200 : i32 to vector<16xi32>
        %broadcast_in_dim3A_210 = vector.shape_cast %broadcast_in_dim3A_209 : vector<16xi32> to vector<16x1xi32>
        %gather3A_211 = vector.shape_cast %broadcast_in_dim3A_210 : vector<16x1xi32> to vector<16xi32>
        %gather3A_212 = tpu.dynamic_gather %get3A_204[%gather3A_211] in [0] : vector<16xi32>, vector<16xi32> -> vector<16xi32>
        %select_n3A_213 = arith.select %lt3A_191, %get3A_204, %gather3A_212 : vector<16xi1>, vector<16xi32>
        %broadcast_in_dim3A_214 = vector.broadcast %min3A_200 : i32 to vector<16xi32>
        %broadcast_in_dim3A_215 = vector.shape_cast %broadcast_in_dim3A_214 : vector<16xi32> to vector<16x1xi32>
        %gather3A_216 = vector.shape_cast %broadcast_in_dim3A_215 : vector<16x1xi32> to vector<16xi32>
        %gather3A_217 = tpu.dynamic_gather %get3A_208[%gather3A_216] in [0] : vector<16xi32>, vector<16xi32> -> vector<16xi32>
        %select_n3A_218 = arith.select %lt3A_191, %get3A_208, %gather3A_217 : vector<16xi1>, vector<16xi32>
        %dma_start3A_219 = arith.constant 0 : i32
        %dma_start3A_220 = arith.constant 0 : i32
        %dma_start3A_221 = tpu.memref_slice %arg4[%dma_start3A_219, %dma_start3A_220] : memref<1000x2048xf32, #tpu.memory_space<hbm>> -> memref<1000x2048xf32, #tpu.memory_space<hbm>>
        tpu.enqueue_indirect_dma source(%dma_start3A_221 : memref<1000x2048xf32, #tpu.memory_space<hbm>>) target(%arg14 : memref<16x2048xf32, #tpu.memory_space<vmem>>) offsets(%select_n3A_213 : vector<16xi32>) semaphore(%arg25 : memref<!tpu.dma_semaphore, #tpu.memory_space<semaphore_mem>>)
      } else {
      }
    }
    %while3A_138 = arith.constant 1 : i32
    scf.for %while3A_139 = %while3A_136 to %while3A_132 step %while3A_138  : i32 {
      %mul3A_140 = arith.constant 16 : i32
      %mul3A_141 = arith.muli %while3A_139, %mul3A_140 : i32
      %add3A_142 = vector.broadcast %mul3A_141 : i32 to vector<16xi32>
      %add3A_143 = arith.addi %add3A_142, %iota3A : vector<16xi32>
      %lt3A_144 = vector.broadcast %squeeze3A : i32 to vector<16xi32>
      %lt3A_145 = arith.cmpi slt, %add3A_143, %lt3A_144 : vector<16xi32>
      %sub3A_146 = arith.constant 1 : i32
      %sub3A_147 = arith.subi %squeeze3A, %sub3A_146 : i32
      %mul3A_148 = arith.constant 16 : i32
      %mul3A_149 = arith.muli %while3A_139, %mul3A_148 : i32
      %sub3A_150 = arith.subi %sub3A_147, %mul3A_149 : i32
      %jit3A_151 = arith.constant 0 : i32
      %jit3A_152 = arith.constant 15 : i32
      %max3A = arith.maxsi %jit3A_151, %sub3A_150 : i32
      %min3A = arith.minsi %jit3A_152, %max3A : i32
      %mul3A_153 = arith.constant 16 : i32
      %mul3A_154 = arith.muli %while3A_139, %mul3A_153 : i32
      %get3A = arith.index_cast %mul3A_154 : i32 to index
      %get3A_155 = tpu.vector_load %arg8[%get3A] {strides = array<i32>} : memref<512xi32, #tpu.memory_space<vmem>>, vector<16xi32>,
      %mul3A_156 = arith.constant 16 : i32
      %mul3A_157 = arith.muli %while3A_139, %mul3A_156 : i32
      %get3A_158 = arith.index_cast %mul3A_157 : i32 to index
      %get3A_159 = tpu.vector_load %arg7[%get3A_158] {strides = array<i32>} : memref<512xi32, #tpu.memory_space<vmem>>, vector<16xi32>,
      %broadcast_in_dim3A_160 = vector.broadcast %min3A : i32 to vector<16xi32>
      %broadcast_in_dim3A_161 = vector.shape_cast %broadcast_in_dim3A_160 : vector<16xi32> to vector<16x1xi32>
      %gather3A = vector.shape_cast %broadcast_in_dim3A_161 : vector<16x1xi32> to vector<16xi32>
      %gather3A_162 = tpu.dynamic_gather %get3A_155[%gather3A] in [0] : vector<16xi32>, vector<16xi32> -> vector<16xi32>
      %select_n3A_163 = arith.select %lt3A_145, %get3A_155, %gather3A_162 : vector<16xi1>, vector<16xi32>
      %broadcast_in_dim3A_164 = vector.broadcast %min3A : i32 to vector<16xi32>
      %broadcast_in_dim3A_165 = vector.shape_cast %broadcast_in_dim3A_164 : vector<16xi32> to vector<16x1xi32>
      %gather3A_166 = vector.shape_cast %broadcast_in_dim3A_165 : vector<16x1xi32> to vector<16xi32>
      %gather3A_167 = tpu.dynamic_gather %get3A_159[%gather3A_166] in [0] : vector<16xi32>, vector<16xi32> -> vector<16xi32>
      %select_n3A_168 = arith.select %lt3A_145, %get3A_159, %gather3A_167 : vector<16xi1>, vector<16xi32>
      %dma_wait3A_169 = arith.constant 0 : i32
      %dma_wait3A_170 = arith.constant 0 : i32
      %dma_wait3A_171 = tpu.memref_slice %arg4[%dma_wait3A_169, %dma_wait3A_170] : memref<1000x2048xf32, #tpu.memory_space<hbm>> -> memref<1000x2048xf32, #tpu.memory_space<hbm>>
      tpu.wait_indirect_dma semaphore(%arg25 : memref<!tpu.dma_semaphore, #tpu.memory_space<semaphore_mem>>) src(%dma_wait3A_171 : memref<1000x2048xf32, #tpu.memory_space<hbm>>) dst(%arg14 : memref<16x2048xf32, #tpu.memory_space<vmem>>)
      %dma_start3A_172 = arith.constant 0 : i32
      %dma_start3A_173 = arith.constant 0 : i32
      %dma_start3A_174 = tpu.memref_slice %arg5[%dma_start3A_172, %dma_start3A_173] : memref<16384x2048xf32, #tpu.memory_space<hbm>> -> memref<16384x2048xf32, #tpu.memory_space<hbm>>
      tpu.enqueue_indirect_dma source(%arg14 : memref<16x2048xf32, #tpu.memory_space<vmem>>) target(%dma_start3A_174 : memref<16384x2048xf32, #tpu.memory_space<hbm>>) offsets(%select_n3A_168 : vector<16xi32>) semaphore(%arg26 : memref<!tpu.dma_semaphore, #tpu.memory_space<semaphore_mem>>)
      %dma_wait3A_175 = arith.constant 0 : i32
      %dma_wait3A_176 = arith.constant 0 : i32
      %dma_wait3A_177 = tpu.memref_slice %arg5[%dma_wait3A_175, %dma_wait3A_176] : memref<16384x2048xf32, #tpu.memory_space<hbm>> -> memref<16384x2048xf32, #tpu.memory_space<hbm>>
      tpu.wait_indirect_dma semaphore(%arg26 : memref<!tpu.dma_semaphore, #tpu.memory_space<semaphore_mem>>) src(%arg14 : memref<16x2048xf32, #tpu.memory_space<vmem>>) dst(%dma_wait3A_177 : memref<16384x2048xf32, #tpu.memory_space<hbm>>)
      %add3A_178 = arith.constant 1 : i32
      %add3A_179 = arith.addi %while3A_139, %add3A_178 : i32
      %lt3A_180 = arith.cmpi slt, %add3A_179, %select_n3A_92 : i32
      %convert_element_type3A_181 = arith.extui %lt3A_180 : i1 to i32
      %cond3A_182 = arith.constant 0 : i32
      %cond3A_183 = arith.cmpi ne, %convert_element_type3A_181, %cond3A_182 : i32
      scf.if %cond3A_183 {
        %add3A_184 = arith.constant 1 : i32
        %add3A_185 = arith.addi %while3A_139, %add3A_184 : i32
        %mul3A_186 = arith.constant 16 : i32
        %mul3A_187 = arith.muli %add3A_185, %mul3A_186 : i32
        %add3A_188 = vector.broadcast %mul3A_187 : i32 to vector<16xi32>
        %add3A_189 = arith.addi %add3A_188, %iota3A : vector<16xi32>
        %lt3A_190 = vector.broadcast %squeeze3A : i32 to vector<16xi32>
        %lt3A_191 = arith.cmpi slt, %add3A_189, %lt3A_190 : vector<16xi32>
        %sub3A_192 = arith.constant 1 : i32
        %sub3A_193 = arith.subi %squeeze3A, %sub3A_192 : i32
        %mul3A_194 = arith.constant 16 : i32
        %mul3A_195 = arith.muli %add3A_185, %mul3A_194 : i32
        %sub3A_196 = arith.subi %sub3A_193, %mul3A_195 : i32
        %jit3A_197 = arith.constant 0 : i32
        %jit3A_198 = arith.constant 15 : i32
        %max3A_199 = arith.maxsi %jit3A_197, %sub3A_196 : i32
        %min3A_200 = arith.minsi %jit3A_198, %max3A_199 : i32
        %mul3A_201 = arith.constant 16 : i32
        %mul3A_202 = arith.muli %add3A_185, %mul3A_201 : i32
        %get3A_203 = arith.index_cast %mul3A_202 : i32 to index
        %get3A_204 = tpu.vector_load %arg8[%get3A_203] {strides = array<i32>} : memref<512xi32, #tpu.memory_space<vmem>>, vector<16xi32>,
        %mul3A_205 = arith.constant 16 : i32
        %mul3A_206 = arith.muli %add3A_185, %mul3A_205 : i32
        %get3A_207 = arith.index_cast %mul3A_206 : i32 to index
        %get3A_208 = tpu.vector_load %arg7[%get3A_207] {strides = array<i32>} : memref<512xi32, #tpu.memory_space<vmem>>, vector<16xi32>,
        %broadcast_in_dim3A_209 = vector.broadcast %min3A_200 : i32 to vector<16xi32>
        %broadcast_in_dim3A_210 = vector.shape_cast %broadcast_in_dim3A_209 : vector<16xi32> to vector<16x1xi32>
        %gather3A_211 = vector.shape_cast %broadcast_in_dim3A_210 : vector<16x1xi32> to vector<16xi32>
        %gather3A_212 = tpu.dynamic_gather %get3A_204[%gather3A_211] in [0] : vector<16xi32>, vector<16xi32> -> vector<16xi32>
        %select_n3A_213 = arith.select %lt3A_191, %get3A_204, %gather3A_212 : vector<16xi1>, vector<16xi32>
        %broadcast_in_dim3A_214 = vector.broadcast %min3A_200 : i32 to vector<16xi32>
        %broadcast_in_dim3A_215 = vector.shape_cast %broadcast_in_dim3A_214 : vector<16xi32> to vector<16x1xi32>
        %gather3A_216 = vector.shape_cast %broadcast_in_dim3A_215 : vector<16x1xi32> to vector<16xi32>
        %gather3A_217 = tpu.dynamic_gather %get3A_208[%gather3A_216] in [0] : vector<16xi32>, vector<16xi32> -> vector<16xi32>
        %select_n3A_218 = arith.select %lt3A_191, %get3A_208, %gather3A_217 : vector<16xi1>, vector<16xi32>
        %dma_start3A_219 = arith.constant 0 : i32
        %dma_start3A_220 = arith.constant 0 : i32
        %dma_start3A_221 = tpu.memref_slice %arg4[%dma_start3A_219, %dma_start3A_220] : memref<1000x2048xf32, #tpu.memory_space<hbm>> -> memref<1000x2048xf32, #tpu.memory_space<hbm>>
        tpu.enqueue_indirect_dma source(%dma_start3A_221 : memref<1000x2048xf32, #tpu.memory_space<hbm>>) target(%arg14 : memref<16x2048xf32, #tpu.memory_space<vmem>>) offsets(%select_n3A_213 : vector<16xi32>) semaphore(%arg25 : memref<!tpu.dma_semaphore, #tpu.memory_space<semaphore_mem>>)
      } else {
      }
    }
    return
  }
}

</mosaic_0001>

<sc_bundles>
// kernel: _lookup.3.cloned.1.call-start
scs
__scs_entry_jumppad:
0x0: {  	(pc) =	sbr.rel $0x88, $3  }
0x1: {  	(tag) =	ssettag $0x0;
	lr =	simm.s32 $0x1  }
0x2: {  	[smem:$0x3F9E] =	sst lr;
	_ =	strace $0xD0000000  }
0x3: {  	_ = 	snop  }
0x4: {  	_ = 	snop  }
0x5: {  	_ = 	snop  }
0x6: {  	_ = 	snop  }
0x7: {  	_ = 	snop  }
__scs_overlays_trampoline_lowered:
0x8: {  	[smem:$0x3FAD] =	sst s0  }
0x9: {  	[smem:$0x3FAE] =	sst s1  }
0xa: {  	[smem:$0x3FAF] =	sst s2  }
0xb: {  	[smem:$0x3FB0] =	sst s3  }
0xc: {  	[smem:$0x3FB1] =	sst s4  }
0xd: {  	[smem:$0x3FB2] =	sst s5  }
0xe: {  	[smem:$0x3FB3] =	sst s6  }
0xf: {  	[smem:$0x3FB4] =	sst s7  }
0x10: {  	[smem:$0x3FB5] =	sst s8  }
0x11: {  	[smem:$0x3FB6] =	sst s9;
	s0 =	simm.s32 @!p0 $0x0  }
0x12: {  	s1 =	sld [smem:$0x3F9C];
	s0 =	simm.s32 @p0 $0x1  }
0x13: {  	[smem:$0x3FB7] =	sst s0;
	s0 =	simm.s32 @!p1 $0x0  }
0x14: {  	s2 =	sld [smem:$0x3F9B];
	s0 =	simm.s32 @p1 $0x1  }
0x15: {  	[smem:$0x3FB8] =	sst s0;
	s0 =	simm.s32 @!p2 $0x0  }
0x16: {  	s3 =	sld [smem:$0x3FDB];
	s0 =	simm.s32 @p2 $0x1  }
0x17: {  	s4 =	simm.s32 $0x1BF5;
	[smem:$0x3FBA] =	sst s0  }
0x18: {  	s0 =	sld [smem:$0x3F9D];
	_ =	swait.ge [sflag:s4], $0x0  }
0x19: {  	s7 =	sld [smem:$0x3F9E]  }
0x1a: {  	s8 =	sadd.s32 $0xFFFFE003, lr  }
0x1b: {  	s9 =	sadd.s32 $0xFFFFFEF7, lr;
	s5 =	simm.s32 $0xFFFFFFFF;
	p2 =	slt.u32 s8, $0xFFFFF086  }
0x1c: {  	p1 =	slt.u32 s9, $0xF7A;
	s5 =	simm.s32 @!p2 $0x0  }
0x1d: {  	s5 =	simm.s32 @p1 $0x1;
	p0 =	seq.s32 s7, s2  }
0x1e: {  	s7 =	smul.u32 @!p0 $0xF7A, s2;
	p2 =	seq.s32 @!p0 s5, $0x0  }
0x1f: {  	s9 =	smul.u32 $0xF7A, s1;
	s8 =	simm.s32 @!p0 $0x1BF5;
	p2 =	por !p2, p0  }
0x20: {  	[sflag:s8] =	ssyncset.s32 @!p0 $0xFFFFF086;
	s6 =	sadd.s32 @!p0 s3, s7;
	s7 =	simm.s32 @!p0 $0x108  }
0x21: {  	s3 =	sadd.s32 s3, s9;
	s6 =	sadd.s32 @!p0 $0x88, s6;
	s7 =	simm.s32 @p2 $0x1082  }
0x22: {  	[simem:s7], [sflag:s8] =	dma.local @!p0 [hbm:s6], $0xF7A  }
0x23: {  	s9 =	sor.u32 $0xD0000000, s2;
	s6 =	simm.s32 $0x108;
	_ =	swait.ge @!p0 [sflag:s8], $0x0  }
0x24: {  	s3 =	sadd.s32 $0x88, s3;
	s6 =	simm.s32 @!p1 $0x1082;
	[sflag:s4] =	ssyncset.s32 $0xFFFFF086  }
0x25: {  	[simem:s6], [sflag:s4] =	dma.local [hbm:s3], $0xF7A  }
0x26: {  	[smem:$0x3F9E] =	sst s1;
	(tag) =	ssettag s2;
	_ =	strace s9  }
0x27: {  	s1 =	sld [smem:$0x3FAE]  }
0x28: {  	s2 =	sld [smem:$0x3FAF]  }
0x29: {  	s4 =	sld [smem:$0x3FB1]  }
0x2a: {  	p0 =	seq.s32 s5, $0x0;
	s5 =	sld [smem:$0x3FB2]  }
0x2b: {  	s6 =	sld [smem:$0x3FB3]  }
0x2c: {  	s7 =	sld [smem:$0x3FB4]  }
0x2d: {  	s3 =	simm.s32 $0x108;
	s8 =	sld [smem:$0x3FB5]  }
0x2e: {  	s3 =	simm.s32 @!p0 $0x1082;
	s9 =	sld [smem:$0x3FB6]  }
0x2f: {  	lr =	sadd.s32 s0, s3;
	s0 =	sld [smem:$0x3FAD]  }
0x30: {  	s3 =	sld [smem:$0x3FB0]  }
0x31: {  	[smem:$0x3FB9] =	sst s10  }
0x32: {  	s10 =	sld [smem:$0x3FB7];
	_ =	sdelay $0x3  }
0x33: {  	p0 =	seq.s32 s10, $0x1;
	s10 =	sld [smem:$0x3FB9];
	_ =	sdelay $0x3  }
0x34: {  	[smem:$0x3FB9] =	sst s10  }
0x35: {  	s10 =	sld [smem:$0x3FB8];
	_ =	sdelay $0x3  }
0x36: {  	p1 =	seq.s32 s10, $0x1;
	s10 =	sld [smem:$0x3FB9];
	_ =	sdelay $0x3  }
0x37: {  	[smem:$0x3FB9] =	sst s10  }
0x38: {  	s10 =	sld [smem:$0x3FBA]  }
0x39: {  	_ = 	snop;
	(pc) =	sbr.ind lr, $3  }
0x3a: {  	_ = 	snop  }
0x3b: {  	_ = 	snop  }
0x3c: {  	p2 =	seq.s32 s10, $0x1;
	s10 =	sld [smem:$0x3FB9]  }
0x3d: {  	_ =	shalt  }
0x3e: {  	_ =	shalt  }
0x3f: {  	_ =	shalt  }
0x40: {  	_ =	shalt  }
0x41: {  	_ =	shalt  }
0x42: {  	_ =	shalt  }
0x43: {  	_ =	shalt  }
0x44: {  	_ =	shalt  }
0x45: {  	_ =	shalt  }
0x46: {  	_ =	shalt  }
0x47: {  	_ =	shalt  }
0x48: {  	_ =	shalt  }
0x49: {  	_ =	shalt  }
0x4a: {  	_ =	shalt  }
0x4b: {  	_ =	shalt  }
0x4c: {  	_ =	shalt  }
0x4d: {  	_ =	shalt  }
0x4e: {  	_ =	shalt  }
0x4f: {  	_ =	shalt  }
0x50: {  	_ =	shalt  }
0x51: {  	_ =	shalt  }
0x52: {  	_ =	shalt  }
0x53: {  	_ =	shalt  }
0x54: {  	_ =	shalt  }
0x55: {  	_ =	shalt  }
0x56: {  	_ =	shalt  }
0x57: {  	_ =	shalt  }
0x58: {  	_ =	shalt  }
0x59: {  	_ =	shalt  }
0x5a: {  	_ =	shalt  }
0x5b: {  	_ =	shalt  }
0x5c: {  	_ =	shalt  }
0x5d: {  	_ =	shalt  }
0x5e: {  	_ =	shalt  }
0x5f: {  	_ =	shalt  }
0x60: {  	_ =	shalt  }
0x61: {  	_ =	shalt  }
0x62: {  	_ =	shalt  }
0x63: {  	_ =	shalt  }
0x64: {  	_ =	shalt  }
0x65: {  	_ =	shalt  }
0x66: {  	_ =	shalt  }
0x67: {  	_ =	shalt  }
0x68: {  	_ =	shalt  }
0x69: {  	_ =	shalt  }
0x6a: {  	_ =	shalt  }
0x6b: {  	_ =	shalt  }
0x6c: {  	_ =	shalt  }
0x6d: {  	_ =	shalt  }
0x6e: {  	_ =	shalt  }
0x6f: {  	_ =	shalt  }
0x70: {  	_ =	shalt  }
0x71: {  	_ =	shalt  }
0x72: {  	_ =	shalt  }
0x73: {  	_ =	shalt  }
0x74: {  	_ =	shalt  }
0x75: {  	_ =	shalt  }
0x76: {  	_ =	shalt  }
0x77: {  	_ =	shalt  }
0x78: {  	_ =	shalt  }
0x79: {  	_ =	shalt  }
0x7a: {  	_ =	shalt  }
0x7b: {  	_ =	shalt  }
0x7c: {  	_ =	shalt  }
0x7d: {  	_ =	shalt  }
0x7e: {  	_ =	shalt  }
0x7f: {  	_ =	shalt  }
0x80: {  	_ =	shalt  }
0x81: {  	_ =	shalt  }
0x82: {  	_ =	shalt  }
0x83: {  	_ =	shalt  }
0x84: {  	_ =	shalt  }
0x85: {  	_ =	shalt  }
0x86: {  	_ =	shalt  }
0x87: {  	_ =	shalt  }
.Lfunc_end0:
.L_simem_size_0:
called_computation_lowered:
.L_overlay_start_0:
0x88: {  	s2 =	sld [smem:$0x3FD9]  }
0x89: {  	s3 =	sld [smem:$0x3FFE];
	_ =	sdelay $0x1  }
0x8a: {  	s1 =	srdreg.scid  }
0x8b: {  	s0 =	sand.u32 $0x1, s1  }
0x8c: {  	s18 =	sshll.u32 s0, $0xA;
	s2 =	sadd.s32 s3, s2  }
0x8d: {  	s2 =	sadd.s32 s2, s18  }
0x8e: {  	[smem:$0x3FC5] =	sst s2  }
0x8f: {  	_ = 	snop  }
0x90: {  	s2 =	sld [smem:$0x3FC9]  }
0x91: {  	s19 =	sld [smem:$0x3FC8]  }
0x92: {  	s4 =	sld [smem:$0x3FC7]  }
0x93: {  	s5 =	sld [smem:$0x3FD0];
	(tm) =	ssettm $0x1  }
0x94: {  	s6 =	sld [smem:$0x3FFB];
	_ =	sdelay $0x3  }
0x95: {  	_ =	strace s6  }
0x96: {  	s6 =	sld [smem:$0x3FFC];
	_ =	sdelay $0x3  }
0x97: {  	_ =	strace s6  }
0x98: {  	s6 =	sld [smem:$0x3FFD];
	_ =	sdelay $0x3  }
0x99: {  	_ =	strace s6  }
0x9a: {  	_ =	strace $0x8FFFFFFF  }
0x9b: {  	s20 =	sld [smem:$0x3FDB];
	_ =	sdelay $0x1  }
0x9c: {  	s7 =	simm.s32 $_scs_section_size  }
0x9d: {  	s8 =	simm.s32 $_size__tile_overlayer_lowered;
	s9 =	simm.s32 $_tile_overlayer_lowered  }
0x9e: {  	s23 =	simm.s32 $0x1BFF;
	s22 =	sshll.u32 s9, $0x1;
	s6 =	sadd.s32 s7, s20  }
0x9f: {  	s10 =	simm.s32 $0x0;
	s21 =	sshll.u32 s8, $0x1;
	s8 =	sadd.s32 s22, s6  }
0xa0: {  	[timem:s10], [sflag:s23] =	dma.local [hbm:s8], s21  }
0xa1: {  	_ =	swait.ge [sflag:s23], s21  }
0xa2: {  	s7 =	ssub.s32 $0x0, s21;
	[sflag:s23] =	ssyncset.done $0x0  }
0xa3: {  	[sflag:s23] =	ssyncadd.s32 s7;
	_ =	sdelay $0x1  }
0xa4: {  	s24 =	simm.s32 $0x1B8B  }
0xa5: {  	_ =	swait.ge [sflag:s24], $0x1  }
0xa6: {  	[sflag:s24] =	ssyncset.done $0x0  }
0xa7: {  	s25 =	simm.s32 $0x1B8E;
	[sflag:s24] =	ssyncadd.s32 $0xFFFFFFFF  }
0xa8: {  	s26 =	simm.s32 $execute0_lowered;
	[smem:$0x3FD2] =	sst s25  }
0xa9: {  	s7 =	sshll.u32 s26, $0x1;
	_ =	strace $0x80000046;
	[dreg:$0x1] =	wrdreg $0xFFFFFFFF  }
0xaa: {  	s28 =	simm.s32 $_size_execute0_lowered;
	s6 =	sadd.s32 s6, s7;
	[dreg:$0x0] =	wrdreg $0x0  }
0xab: {  	s7 =	sshll.u32 s28, $0x1;
	[dreg:$0x2] =	wrdreg s6  }
0xac: {  	[dreg:$0x3] =	wrdreg s7  }
0xad: {  	[dreg:$0x4] =	wrdreg $0xC0  }
0xae: {  	_ =	task [dreg:s10], $0x5FFFF  }
0xaf: {  	[dreg:$0x1] =	wrdreg $0xFFFFFFFF  }
0xb0: {  	[dreg:$0x0] =	wrdreg $0x60  }
0xb1: {  	[dreg:$0x2] =	wrdreg s2  }
0xb2: {  	[dreg:$0x3] =	wrdreg s19  }
0xb3: {  	[dreg:$0x4] =	wrdreg s4  }
0xb4: {  	[dreg:$0x5] =	wrdreg s5  }
0xb5: {  	[dreg:$0x6] =	wrdreg $0x9  }
0xb6: {  	_ =	task.clear_ibuf [dreg:s10], $0x7FFFF;
	_ =	strace $0x90000046  }
0xb7: {  	s29 =	simm.s32 $0x9;
	_ =	strace $0x80000048  }
0xb8: {  	_ =	swait.ge [sflag:s29], $0x1  }
0xb9: {  	[sflag:s29] =	ssyncadd.s32 $0xFFFFFFFF  }
0xba: {  	_ =	strace $0x90000048  }
0xbb: {  	_ =	sfence  }
0xbc: {  	s30 =	sld [smem:$0x0];
	_ =	sdelay $0x2  }
0xbd: {  	s31 =	sshll.u32 s1, $0xD;
	s1 =	sshrl.u32 s1, $0x2  }
0xbe: {  	s3 =	sand.u32 $0x4000, s31;
	s1 =	sadd.s32 s1, s30  }
0xbf: {  	s0 =	sor.u32 s3, s0;
	s1 =	sshll.u32 s1, $0x11  }
0xc0: {  	s0 =	sor.u32 s1, s0  }
0xc1: {  	s0 =	sadd.s32 $0x8F2B, s0  }
0xc2: {  	[sflag:s0] =	ssyncadd.remote.s32 $0x1  }
0xc3: {  	_ =	sfence.sel $0xFFFF  }
0xc4: {  	[dreg:$0x0] =	wrdreg $0xFFFFFFFF;
	(pc) =	sbr.abs _section_cstart, $3  }
0xc5: {  	[dreg:$0x1] =	wrdreg $0xFFFFFFFF  }
0xc6: {  	_ =	task.clear_ibuf [dreg:s10], $0x2FFFF;
	_ =	strace $0x9FFFFFFF  }
0xc7: {  	(tm) =	ssettm $0x7FFFFFFF  }
tec
execute0_lowered:
.L_overlay_start_1:
0x0: {  	(tag) =	ssettag $0x1  }
0x1: {  	s0 =	rddreg [dreg:$0x0]  }
0x2: {  	s1 =	rddreg [dreg:$0x1]  }
0x3: {  	s16 =	rddreg [dreg:$0x2]  }
0x4: {  	s31 =	rddreg [dreg:$0x3];
	s5 =	simm.s32 $0x0  }
0x5: {  	s2 =	srdreg.scid;
	[smem:$0x7FF] =	sst s5;
	s24 =	sadd.s32 $0x200, s1  }
0x6: {  	s25 =	simm.s32 $0x14600;
	_ =	strace $0x80000047;
	[smem:$0x7F8] =	sst s24  }
0x7: {  	s17 =	stileid.u32;
	s26 =	simm.s32 $0x14E00;
	[dreg:$0x5] =	wrdreg s25  }
0x8: {  	s29 =	simm.s32 $0x15600;
	s20 =	simm.s32 $0x17600;
	[dreg:$0x6] =	wrdreg s26  }
0x9: {  	s21 =	simm.s32 $0x17E00;
	s28 =	simm.s32 $0x200;
	[dreg:$0x7] =	wrdreg s29  }
0xa: {  	s30 =	simm.s32 $0x400;
	s2 =	sand.u32 $0x1, s2;
	[dreg:$0xb] =	wrdreg s20  }
0xb: {  	s3 =	sshll.u32 s17, $0x1;
	s9 =	sadd.s32 $0x100, s16;
	[dreg:$0xc] =	wrdreg s21  }
0xc: {  	s6 =	sshll.u32 s17, $0x2;
	s18 =	sadd.s32 $0x200, s16;
	[dreg:$0x17] =	wrdreg s9  }
0xd: {  	s10 =	sadd.s32 $0x300, s1;
	s19 =	sadd.s32 $0x300, s16;
	[dreg:$0x18] =	wrdreg s18  }
0xe: {  	s11 =	sadd.s32 $0x400, s1;
	s12 =	sadd.s32 $0x500, s1;
	[dreg:$0x19] =	wrdreg s19  }
0xf: {  	s4 =	ssub.s32 $0x2, s2;
	s24 =	simm.s32 $0x18E00;
	[smem:$0x7FD] =	sst s10  }
0x10: {  	s3 =	sor.u32 s2, s3;
	s29 =	simm.s32 $0x19600;
	[dreg:$0xe] =	wrdreg s24  }
0x11: {  	s6 =	sand.u32 $0x30, s6;
	s21 =	simm.s32 $0x1B600;
	[dreg:$0xf] =	wrdreg s29  }
0x12: {  	s26 =	sadd.s32 $0x400, s16;
	s20 =	sadd.s32 $0x500, s16;
	[dreg:$0x13] =	wrdreg s21  }
0x13: {  	s7 =	sshrl.u32 s4, $0x1;
	s8 =	sshll.u32 s3, $0x8;
	[dreg:$0x1a] =	wrdreg s26  }
0x14: {  	s0 =	sadd.s32 s0, s6;
	s23 =	sshll.u32 s3, $0x9;
	[dreg:$0x1b] =	wrdreg s20  }
0x15: {  	s3 =	sshll.u32 s3, $0x11;
	s6 =	simm.s32 $0x16600;
	[dreg:$0x15] =	wrdreg s23  }
0x16: {  	v0 =	vimm.s32 $0xEDCBA987;
	s29 =	sadd.s32 $0x400, s31;
	s4 =	ssub.s32 s4, s7;
	[dreg:$0x9] =	wrdreg s6  }
0x17: {  	v1 =	vimm.s32 $0x65432100;
	v0 =	vunpack.c.l.s4.s8 v0;
	s15 =	sadd.s32 s31, s3;
	s3 =	simm.s32 $0x15E00;
	[smem:$0x7FC] =	sst s29  }
0x18: {  	v1 =	vunpack.c.l.s4.s8 v1;
	s7 =	simm.s32 $0x16E00;
	s23 =	sshll.u32 s17, $0xA;
	[dreg:$0x8] =	wrdreg s3  }
0x19: {  	v2 =	vunpack.c.0.s8.s32 v0;
	s6 =	sshll.u32 s17, $0x12;
	s17 =	simm.s32 $0x1AE00;
	[dreg:$0xa] =	wrdreg s7  }
0x1a: {  	v5 =	vimm.s32 $0xDCBA9876;
	s13 =	sadd.s32 $0x600, s1;
	s14 =	sadd.s32 $0x700, s1;
	v3 =	vunpack.c.0.s8.s32 v1;
	[dreg:$0x12] =	wrdreg s17  }
0x1b: {  	v7 =	vimm.s32 $0x32100000;
	v8 =	vimm.s32 $0xE40000;
	s22 =	sand.u32 $0x700, s8;
	s8 =	sadd.s32 $0x100, s1;
	v2 =	vand.u32 $0xF, v2;
	[smem:$0x7FA] =	sst s15  }
0x1c: {  	v8 =	vunpack.c.l.s2.s4 v8;
	s25 =	sshll.u32 s2, $0x9;
	s0 =	sadd.s32 s22, s0;
	[smem:$0x7FB] =	sst s8;
	v2 =	vcombine.low v3, v2;
	v3 =	vimm.s32 $0x54321000  }
0x1d: {  	s2 =	sshll.u32 s2, $0x11;
	s22 =	simm.s32 $0x18600;
	[dreg:$0x16] =	wrdreg s0;
	v6 =	vunpack.c.l.s4.s8 v3;
	v3 =	vunpack.c.l.s4.s8 v5;
	v5 =	vimm.s32 $0xBA987654  }
0x1e: {  	vm0 =	vmmov $0xffff;
	vm1 =	vmmov $0x3;
	s21 =	sadd.s32 $0x500, s31;
	s3 =	sor.u32 s25, s23;
	[dreg:$0xd] =	wrdreg s22;
	v5 =	vunpack.c.l.s4.s8 v5  }
0x1f: {  	vm2 =	vmmov $0xf;
	v7 =	vunpack.c.l.s4.s8 v7;
	v8 =	vunpack.c.l.s4.s8 v8;
	s7 =	simm.s32 $0x1A600;
	s23 =	sadd.s32 $0x600, s16;
	[dreg:$0x1c] =	wrdreg s3  }
0x20: {  	vm3 =	vcmask $0x3F30;
	v0 =	vlaneseq.u32;
	s24 =	smax.u32 s4, $0x1;
	s4 =	sadd.s32 $0x100, s31;
	[dreg:$0x11] =	wrdreg s7;
	v5 =	vunpack.c.0.s8.s32 v5  }
0x21: {  	v7 =	vunpack.c.0.s8.s32 v7;
	v4 =	vshrl.u32 v0, $0x3;
	v8 =	vunpack.c.0.s8.s32 v8;
	s3 =	simm.s32 $0x19E00;
	s22 =	simm.s32 $0x1BE00;
	[dreg:$0x1d] =	wrdreg s24  }
.Ltmp0:
0x22: {  	s7 =	sadd.s32 $0x200, s31;
	[dreg:$0x1f] =	wrdreg s23;
	v9 =	vunpack.c.0.s8.s32 v3;
	v3 =	vmul.u32 $0x8, v4;
	v5 =	vand.u32 $0xF, v5;
	(pc) =	sbr.rel .LBB2_1-.Ltmp0, $4  }
0x23: {  	s24 =	sadd.s32 $0x600, s31;
	[dreg:$0x10] =	wrdreg s3;
	s3 =	sadd.s32 s6, s31;
	v4 =	vunpack.c.0.s8.s32 v6;
	v5 =	vcombine.low v7, v5;
	v7 =	vimm.s32 $0x7060504  }
0x24: {  	v1 =	vand.u32 $0x7, v0;
	[dreg:$0x14] =	wrdreg s22;
	s22 =	sadd.s32 $0x700, s16;
	s2 =	sadd.s32 s2, s3;
	v6 =	vand.u32 $0xF, v9;
	v7 =	vunpack.c.0.s8.s32 v7  }
0x25: {  	v8 =	vand.u32 $0x3, v8;
	s6 =	simm.s32 $0x0;
	[smem:$0x7F9] =	sst s22;
	s25 =	sadd.s32 $0xFFFFF800, s2;
	v4 =	vcombine.low v4, v6;
	v6 =	vimm.s32 $0x0  }
0x26: {  	s2 =	sadd.s32 $0x300, s31;
	[dreg:$0x1e] =	wrdreg s25;
	s25 =	sadd.s32 $0x700, s31;
	v7 =	vsel vm3, v7, v8;
	vm3 =	vmmov $0xff;
	v8 =	vor.u32 $0x8, v0  }
.LBB2_15:
0x27: {  	s6 =	sld [smem:$0x7F7];
	_ =	sdelay $0x2  }
0x28: {  	s3 =	rddreg [dreg:$0x1d];
	s6 =	sadd.s32 $0x1, s6  }
0x29: {  	p0 =	sne.s32 s6, s3  }
.Ltmp1:
0x2a: {  	s4 =	smov.u32 s7;
	(pc) =	sbr.rel @!p0 .LBB2_16-.Ltmp1, $4  }
0x2b: {  	s7 =	smov.u32 s2;
	s21 =	smov.u32 s15;
	s15 =	sld [smem:$0x7FA]  }
0x2c: {  	s2 =	smov.u32 s24;
	s24 =	smov.u32 s1;
	s1 =	rddreg [dreg:$0x1]  }
0x2d: {  	s25 =	smov.u32 s30;
	s8 =	sld [smem:$0x7FB]  }
0x2e: {  	s28 =	simm.s32 $0x200;
	s30 =	simm.s32 $0x400;
	s10 =	sld [smem:$0x7FD]  }
.LBB2_1:
0x2f: {  	[smem:$0x7F7] =	sst s6  }
0x30: {  	s0 =	rddreg [dreg:$0x16];
	s3 =	simm.s32 $0x80;
	s17 =	simm.s32 $0xD  }
0x31: {  	[tilespmem:s5], [sflag:$0xD] =	stream.strided.gather [hbm4b:s0+s3], $0x200, s28, s3, $0x38;
	[tilespmem:$0x1C600] =	vst v63  }
0x32: {  	_ =	swait.ge [sflag:s17], $0x200  }
0x33: {  	[sflag:s17] =	ssyncset.done $0x0  }
0x34: {  	[sflag:s17] =	ssyncadd.s32 $0xFFFFFE00  }
0x35: {  	v9 =	vld.msk [tilespmem:$0x0], $0xff;
	_ =	sdelay $0x4  }
0x36: {  	v10 =	vshll.u32 v9, $0x4  }
0x37: {  	v9 =	vand.u32 $0x7, v9;
	v10 =	vand.u32 $0xFFFFFF80, v10  }
0x38: {  	v9 =	vor.u32 v9, v10  }
0x39: {  	v9 =	vperm.xlane v9, v1;
	_ =	sdelay $0x1  }
0x3a: {  	v9 =	vadd.s32 v3, v9;
	_ =	sdelay $0x3  }
0x3b: {  	s18 =	simm.s32 $0x600  }
0x3c: {  	[tilespmem:s18], [sflag:$0x1] =	stream.indirect_vreg.gather [hbm4b:s1+s5], $0x80, v9, vm0, $0xb8;
	[tilespmem:$0x1C600] =	vst v63  }
0x3d: {  	s19 =	simm.s32 $0xE00;
	s9 =	sld [smem:$0x7F8]  }
0x3e: {  	[tilespmem:s19], [sflag:$0x1] =	stream.indirect_vreg.gather [hbm4b:s8+s5], $0x80, v9, vm0, $0xb8;
	[tilespmem:$0x1C600] =	vst v63  }
0x3f: {  	s20 =	simm.s32 $0x1600  }
0x40: {  	[tilespmem:s20], [sflag:$0x1] =	stream.indirect_vreg.gather [hbm4b:s9+s5], $0x80, v9, vm0, $0xb8;
	[tilespmem:$0x1C600] =	vst v63  }
0x41: {  	s22 =	simm.s32 $0x1E00  }
0x42: {  	[tilespmem:s22], [sflag:$0x1] =	stream.indirect_vreg.gather [hbm4b:s10+s5], $0x80, v9, vm0, $0xb8;
	[tilespmem:$0x1C600] =	vst v63  }
0x43: {  	s23 =	simm.s32 $0x2600  }
0x44: {  	[tilespmem:s23], [sflag:$0x1] =	stream.indirect_vreg.gather [hbm4b:s11+s5], $0x80, v9, vm0, $0xb8;
	[tilespmem:$0x1C600] =	vst v63  }
0x45: {  	s26 =	simm.s32 $0x2E00  }
0x46: {  	[tilespmem:s26], [sflag:$0x1] =	stream.indirect_vreg.gather [hbm4b:s12+s5], $0x80, v9, vm0, $0xb8;
	[tilespmem:$0x1C600] =	vst v63  }
0x47: {  	s29 =	simm.s32 $0x3600  }
0x48: {  	[tilespmem:s29], [sflag:$0x1] =	stream.indirect_vreg.gather [hbm4b:s13+s5], $0x80, v9, vm0, $0xb8;
	[tilespmem:$0x1C600] =	vst v63  }
0x49: {  	s3 =	simm.s32 $0x3E00  }
0x4a: {  	[tilespmem:s3], [sflag:$0x1] =	stream.indirect_vreg.gather [hbm4b:s14+s5], $0x80, v9, vm0, $0xb8;
	[tilespmem:$0x1C600] =	vst v63  }
0x4b: {  	v9 =	vld.msk [tilespmem:$0x8], $0xff;
	_ =	sdelay $0x4  }
0x4c: {  	v10 =	vshll.u32 v9, $0x4  }
0x4d: {  	v9 =	vand.u32 $0x7, v9;
	v10 =	vand.u32 $0xFFFFFF80, v10  }
0x4e: {  	v9 =	vor.u32 v9, v10  }
0x4f: {  	v9 =	vperm.xlane v9, v1;
	_ =	sdelay $0x1  }
0x50: {  	v9 =	vadd.s32 v3, v9;
	_ =	sdelay $0x3  }
0x51: {  	s6 =	simm.s32 $0x4600  }
0x52: {  	[tilespmem:s6], [sflag:$0x2] =	stream.indirect_vreg.gather [hbm4b:s1+s5], $0x80, v9, vm0, $0xb8;
	[tilespmem:$0x1C600] =	vst v63  }
0x53: {  	s16 =	simm.s32 $0x4E00  }
0x54: {  	[tilespmem:s16], [sflag:$0x2] =	stream.indirect_vreg.gather [hbm4b:s8+s5], $0x80, v9, vm0, $0xb8;
	[tilespmem:$0x1C600] =	vst v63  }
0x55: {  	s17 =	simm.s32 $0x5600  }
0x56: {  	[tilespmem:s17], [sflag:$0x2] =	stream.indirect_vreg.gather [hbm4b:s9+s5], $0x80, v9, vm0, $0xb8;
	[tilespmem:$0x1C600] =	vst v63  }
0x57: {  	s18 =	simm.s32 $0x5E00  }
0x58: {  	[tilespmem:s18], [sflag:$0x2] =	stream.indirect_vreg.gather [hbm4b:s10+s5], $0x80, v9, vm0, $0xb8;
	[tilespmem:$0x1C600] =	vst v63  }
0x59: {  	s19 =	simm.s32 $0x6600  }
0x5a: {  	[tilespmem:s19], [sflag:$0x2] =	stream.indirect_vreg.gather [hbm4b:s11+s5], $0x80, v9, vm0, $0xb8;
	[tilespmem:$0x1C600] =	vst v63  }
0x5b: {  	s20 =	simm.s32 $0x6E00  }
0x5c: {  	[tilespmem:s20], [sflag:$0x2] =	stream.indirect_vreg.gather [hbm4b:s12+s5], $0x80, v9, vm0, $0xb8;
	[tilespmem:$0x1C600] =	vst v63  }
0x5d: {  	s22 =	simm.s32 $0x7600  }
0x5e: {  	[tilespmem:s22], [sflag:$0x2] =	stream.indirect_vreg.gather [hbm4b:s13+s5], $0x80, v9, vm0, $0xb8;
	[tilespmem:$0x1C600] =	vst v63  }
0x5f: {  	s23 =	simm.s32 $0x7E00  }
0x60: {  	[tilespmem:s23], [sflag:$0x2] =	stream.indirect_vreg.gather [hbm4b:s14+s5], $0x80, v9, vm0, $0xb8;
	[tilespmem:$0x1C600] =	vst v63  }
0x61: {  	v9 =	vld.msk [tilespmem:$0x10], $0xff;
	_ =	sdelay $0x4  }
0x62: {  	v10 =	vshll.u32 v9, $0x4  }
0x63: {  	v9 =	vand.u32 $0x7, v9;
	v10 =	vand.u32 $0xFFFFFF80, v10  }
0x64: {  	v9 =	vor.u32 v9, v10  }
0x65: {  	v9 =	vperm.xlane v9, v1;
	_ =	sdelay $0x1  }
0x66: {  	v9 =	vadd.s32 v3, v9;
	_ =	sdelay $0x3  }
0x67: {  	s26 =	simm.s32 $0x8600  }
0x68: {  	[tilespmem:s26], [sflag:$0x3] =	stream.indirect_vreg.gather [hbm4b:s1+s5], $0x80, v9, vm0, $0xb8;
	[tilespmem:$0x1C600] =	vst v63  }
0x69: {  	s29 =	simm.s32 $0x8E00  }
0x6a: {  	[tilespmem:s29], [sflag:$0x3] =	stream.indirect_vreg.gather [hbm4b:s8+s5], $0x80, v9, vm0, $0xb8;
	[tilespmem:$0x1C600] =	vst v63  }
0x6b: {  	s3 =	simm.s32 $0x9600  }
0x6c: {  	[tilespmem:s3], [sflag:$0x3] =	stream.indirect_vreg.gather [hbm4b:s9+s5], $0x80, v9, vm0, $0xb8;
	[tilespmem:$0x1C600] =	vst v63  }
0x6d: {  	s6 =	simm.s32 $0x9E00  }
0x6e: {  	[tilespmem:s6], [sflag:$0x3] =	stream.indirect_vreg.gather [hbm4b:s10+s5], $0x80, v9, vm0, $0xb8;
	[tilespmem:$0x1C600] =	vst v63  }
0x6f: {  	s16 =	simm.s32 $0xA600  }
0x70: {  	[tilespmem:s16], [sflag:$0x3] =	stream.indirect_vreg.gather [hbm4b:s11+s5], $0x80, v9, vm0, $0xb8;
	[tilespmem:$0x1C600] =	vst v63  }
0x71: {  	s17 =	simm.s32 $0xAE00  }
0x72: {  	[tilespmem:s17], [sflag:$0x3] =	stream.indirect_vreg.gather [hbm4b:s12+s5], $0x80, v9, vm0, $0xb8;
	[tilespmem:$0x1C600] =	vst v63  }
0x73: {  	s18 =	simm.s32 $0xB600  }
0x74: {  	[tilespmem:s18], [sflag:$0x3] =	stream.indirect_vreg.gather [hbm4b:s13+s5], $0x80, v9, vm0, $0xb8;
	[tilespmem:$0x1C600] =	vst v63  }
0x75: {  	s19 =	simm.s32 $0xBE00  }
0x76: {  	[tilespmem:s19], [sflag:$0x3] =	stream.indirect_vreg.gather [hbm4b:s14+s5], $0x80, v9, vm0, $0xb8;
	[tilespmem:$0x1C600] =	vst v63  }
0x77: {  	v9 =	vld.msk [tilespmem:$0x18], $0xff;
	_ =	sdelay $0x4  }
0x78: {  	v10 =	vshll.u32 v9, $0x4  }
0x79: {  	v9 =	vand.u32 $0x7, v9;
	v10 =	vand.u32 $0xFFFFFF80, v10  }
0x7a: {  	v9 =	vor.u32 v9, v10  }
0x7b: {  	v9 =	vperm.xlane v9, v1;
	_ =	sdelay $0x1  }
0x7c: {  	v9 =	vadd.s32 v3, v9;
	_ =	sdelay $0x3  }
0x7d: {  	s20 =	simm.s32 $0xC600  }
0x7e: {  	[tilespmem:s20], [sflag:$0x4] =	stream.indirect_vreg.gather [hbm4b:s1+s5], $0x80, v9, vm0, $0xb8;
	[tilespmem:$0x1C600] =	vst v63  }
0x7f: {  	s22 =	simm.s32 $0xCE00  }
0x80: {  	[tilespmem:s22], [sflag:$0x4] =	stream.indirect_vreg.gather [hbm4b:s8+s5], $0x80, v9, vm0, $0xb8;
	[tilespmem:$0x1C600] =	vst v63  }
0x81: {  	s23 =	simm.s32 $0xD600  }
0x82: {  	[tilespmem:s23], [sflag:$0x4] =	stream.indirect_vreg.gather [hbm4b:s9+s5], $0x80, v9, vm0, $0xb8;
	[tilespmem:$0x1C600] =	vst v63  }
0x83: {  	s26 =	simm.s32 $0xDE00  }
0x84: {  	[tilespmem:s26], [sflag:$0x4] =	stream.indirect_vreg.gather [hbm4b:s10+s5], $0x80, v9, vm0, $0xb8;
	[tilespmem:$0x1C600] =	vst v63  }
0x85: {  	s29 =	simm.s32 $0xE600  }
0x86: {  	[tilespmem:s29], [sflag:$0x4] =	stream.indirect_vreg.gather [hbm4b:s11+s5], $0x80, v9, vm0, $0xb8;
	[tilespmem:$0x1C600] =	vst v63  }
0x87: {  	s3 =	simm.s32 $0xEE00  }
0x88: {  	[tilespmem:s3], [sflag:$0x4] =	stream.indirect_vreg.gather [hbm4b:s12+s5], $0x80, v9, vm0, $0xb8;
	[tilespmem:$0x1C600] =	vst v63  }
0x89: {  	s6 =	simm.s32 $0xF600  }
0x8a: {  	[tilespmem:s6], [sflag:$0x4] =	stream.indirect_vreg.gather [hbm4b:s13+s5], $0x80, v9, vm0, $0xb8;
	[tilespmem:$0x1C600] =	vst v63  }
0x8b: {  	s16 =	simm.s32 $0xFE00  }
0x8c: {  	[tilespmem:s16], [sflag:$0x4] =	stream.indirect_vreg.gather [hbm4b:s14+s5], $0x80, v9, vm0, $0xb8;
	[tilespmem:$0x1C600] =	vst v63  }
0x8d: {  	v9 =	vld.msk [tilespmem:$0x20], $0xff;
	_ =	sdelay $0x4  }
0x8e: {  	v10 =	vshll.u32 v9, $0x4  }
0x8f: {  	v9 =	vand.u32 $0x7, v9;
	v10 =	vand.u32 $0xFFFFFF80, v10  }
0x90: {  	v9 =	vor.u32 v9, v10  }
0x91: {  	v9 =	vperm.xlane v9, v1;
	_ =	sdelay $0x1  }
0x92: {  	v9 =	vadd.s32 v3, v9;
	_ =	sdelay $0x3  }
0x93: {  	s17 =	simm.s32 $0x10600  }
0x94: {  	[tilespmem:s17], [sflag:$0x5] =	stream.indirect_vreg.gather [hbm4b:s1+s5], $0x80, v9, vm0, $0xb8;
	[tilespmem:$0x1C600] =	vst v63  }
0x95: {  	s18 =	simm.s32 $0x10E00  }
0x96: {  	[tilespmem:s18], [sflag:$0x5] =	stream.indirect_vreg.gather [hbm4b:s8+s5], $0x80, v9, vm0, $0xb8;
	[tilespmem:$0x1C600] =	vst v63  }
0x97: {  	s19 =	simm.s32 $0x11600  }
0x98: {  	[tilespmem:s19], [sflag:$0x5] =	stream.indirect_vreg.gather [hbm4b:s9+s5], $0x80, v9, vm0, $0xb8;
	[tilespmem:$0x1C600] =	vst v63  }
0x99: {  	s20 =	simm.s32 $0x11E00  }
0x9a: {  	[tilespmem:s20], [sflag:$0x5] =	stream.indirect_vreg.gather [hbm4b:s10+s5], $0x80, v9, vm0, $0xb8;
	[tilespmem:$0x1C600] =	vst v63  }
0x9b: {  	s22 =	simm.s32 $0x12600  }
0x9c: {  	[tilespmem:s22], [sflag:$0x5] =	stream.indirect_vreg.gather [hbm4b:s11+s5], $0x80, v9, vm0, $0xb8;
	[tilespmem:$0x1C600] =	vst v63  }
0x9d: {  	s23 =	simm.s32 $0x12E00  }
0x9e: {  	[tilespmem:s23], [sflag:$0x5] =	stream.indirect_vreg.gather [hbm4b:s12+s5], $0x80, v9, vm0, $0xb8;
	[tilespmem:$0x1C600] =	vst v63  }
0x9f: {  	s26 =	simm.s32 $0x13600  }
0xa0: {  	[tilespmem:s26], [sflag:$0x5] =	stream.indirect_vreg.gather [hbm4b:s13+s5], $0x80, v9, vm0, $0xb8;
	[tilespmem:$0x1C600] =	vst v63  }
0xa1: {  	s29 =	simm.s32 $0x13E00;
	s3 =	rddreg [dreg:$0x1c];
	s6 =	simm.s32 $0x0  }
0xa2: {  	[tilespmem:s29], [sflag:$0x5] =	stream.indirect_vreg.gather [hbm4b:s14+s5], $0x80, v9, vm0, $0xb8;
	v9 =	vimm.s32 $0x0;
	[tilespmem:$0x1C600] =	vst v63  }
.LBB2_2:
0xa3: {  	s16 =	sshra.s32 s6, $0x2  }
0xa4: {  	v10 =	vld [tilespmem:s16+$0x0];
	_ =	sdelay $0x4  }
0xa5: {  	v10 =	vadd.s32 $0xFFFF8300, v10  }
0xa6: {  	vm4 =	vlt.u32 v10, $0x1F4  }
0xa7: {  	v11 =	vsel vm4, $0x1, v6  }
0xa8: {  	v12 =	vperm.xlane v11, v2  }
0xa9: {  	vm5 =	veq.s32 v0, $0x0  }
0xaa: {  	v12 =	vsel vm5, $0x0, v12  }
0xab: {  	v11 =	vadd.s32 v11, v12  }
0xac: {  	v12 =	vperm.xlane v11, v4;
	_ =	sdelay $0x1  }
0xad: {  	v12 =	vsel vm1, $0x0, v12  }
0xae: {  	v11 =	vadd.s32 v12, v11  }
0xaf: {  	v12 =	vperm.xlane v11, v5;
	_ =	sdelay $0x1  }
0xb0: {  	v12 =	vsel vm2, $0x0, v12  }
0xb1: {  	v11 =	vadd.s32 v12, v11  }
0xb2: {  	v12 =	vperm.xlane v11, v7;
	_ =	sdelay $0x1  }
0xb3: {  	v12 =	vsel vm3, $0x0, v12  }
0xb4: {  	v12 =	vadd.s32 v12, v9  }
0xb5: {  	v11 =	vadd.s32 v11, v12  }
0xb6: {  	v11 =	vadd.s32 $0xFFFFFFFF, v11  }
0xb7: {  	vm5 =	vgt.s32 v11, $0x0  }
0xb8: {  	v11 =	vnsel vm5, $0x0, v11  }
0xb9: {  	p0 =	sne.s32 s6, $0x7C0  }
.Ltmp2:
0xba: {  	_ = 	snop;
	(pc) =	sbr.rel @p0 .LBB2_2-.Ltmp2, $4  }
0xbb: {  	_ = 	snop  }
0xbc: {  	v63 =	vor.u32 s3, v0;
	v13 =	vmpcnt.ones.xlane vm4  }
0xbd: {  	[tilespmem:v11+s28+$0x0] =	vst.idx.msk vm4, v63  }
0xbe: {  	s3 =	sadd.s32 $0x10, s3;
	s6 =	sadd.s32 $0x40, s6;
	v9 =	vadd.s32 v9, v13;
	[tilespmem:v11+s30+$0x0] =	vst.idx.msk vm4, v10  }
.Ltmp3:
0xbf: {  	(pc) =	sbr.rel .LBB2_4-.Ltmp3, $4  }
0xc0: {  	_ = 	snop  }
0xc1: {  	s19 =	simm.s32 $0x0  }
0xc2: {  	s3 =	simm.s32 $0xFFFFFFFB;
	s16 =	simm.s32 $0x10;
	s17 =	rddreg [dreg:$0x1e]  }
0xc3: {  	s26 =	simm.s32 $0x0;
	s20 =	simm.s32 $0x600;
	s22 =	simm.s32 $0xE00  }
.LBB2_5:
0xc4: {  	s0 =	simm.s32 $0x6  }
0xc5: {  	_ =	swait.ge [sflag:s0], $0x4000  }
0xc6: {  	[sflag:s0] =	ssyncset.done $0x0  }
0xc7: {  	[sflag:s0] =	ssyncadd.s32 $0xFFFFC000  }
0xc8: {  	v10 =	vld.msk [tilespmem:s16+$0xFFFFFFF0], $0xff;
	_ =	sdelay $0x4  }
0xc9: {  	v11 =	vshll.u32 v10, $0x4  }
0xca: {  	v10 =	vand.u32 $0x7, v10;
	v11 =	vand.u32 $0xFFFFFF80, v11  }
0xcb: {  	v10 =	vor.u32 v10, v11  }
0xcc: {  	v10 =	vperm.xlane v10, v1;
	_ =	sdelay $0x1  }
0xcd: {  	v10 =	vadd.s32 v3, v10;
	_ =	sdelay $0x4  }
0xce: {  	[tilespmem:s20], [sflag:$0x1] =	stream.indirect_vreg.gather [hbm4b:s1+s5], $0x80, v10, vm0, $0xb8;
	[tilespmem:$0x1C600] =	vst v63  }
0xcf: {  	_ = 	snop  }
0xd0: {  	[tilespmem:s22], [sflag:$0x1] =	stream.indirect_vreg.gather [hbm4b:s8+s5], $0x80, v10, vm0, $0xb8;
	[tilespmem:$0x1C600] =	vst v63  }
0xd1: {  	s6 =	simm.s32 $0x1600  }
0xd2: {  	[tilespmem:s6], [sflag:$0x1] =	stream.indirect_vreg.gather [hbm4b:s9+s5], $0x80, v10, vm0, $0xb8;
	[tilespmem:$0x1C600] =	vst v63  }
0xd3: {  	s23 =	simm.s32 $0x1E00  }
0xd4: {  	[tilespmem:s23], [sflag:$0x1] =	stream.indirect_vreg.gather [hbm4b:s10+s5], $0x80, v10, vm0, $0xb8;
	[tilespmem:$0x1C600] =	vst v63  }
0xd5: {  	s28 =	simm.s32 $0x2600  }
0xd6: {  	[tilespmem:s28], [sflag:$0x1] =	stream.indirect_vreg.gather [hbm4b:s11+s5], $0x80, v10, vm0, $0xb8;
	[tilespmem:$0x1C600] =	vst v63  }
0xd7: {  	s29 =	simm.s32 $0x2E00  }
0xd8: {  	[tilespmem:s29], [sflag:$0x1] =	stream.indirect_vreg.gather [hbm4b:s12+s5], $0x80, v10, vm0, $0xb8;
	[tilespmem:$0x1C600] =	vst v63  }
0xd9: {  	s30 =	simm.s32 $0x3600  }
0xda: {  	[tilespmem:s30], [sflag:$0x1] =	stream.indirect_vreg.gather [hbm4b:s13+s5], $0x80, v10, vm0, $0xb8;
	[tilespmem:$0x1C600] =	vst v63  }
0xdb: {  	s31 =	simm.s32 $0x3E00  }
0xdc: {  	[tilespmem:s31], [sflag:$0x1] =	stream.indirect_vreg.gather [hbm4b:s14+s5], $0x80, v10, vm0, $0xb8;
	[tilespmem:$0x1C600] =	vst v63  }
.LBB2_7:
0xdd: {  	s0 =	simm.s32 $0x4  }
0xde: {  	_ =	swait.ge [sflag:s0], $0x4000  }
0xdf: {  	s6 =	sadd.s32 $0xFFFFF800, s17;
	s31 =	sadd.s32 $0x1, s3;
	[sflag:s0] =	ssyncset.done $0x0  }
0xe0: {  	s29 =	simm.s32 $0xC600;
	p0 =	sgt.u32 s31, $0x3A;
	[sflag:s0] =	ssyncadd.s32 $0xFFFFC000  }
0xe1: {  	[hbm4b:s6+s5] =	stream.linear.scatter [tilespmem:s29], [sflag:$0x9], $0x4000, $0x38;
	[tilespmem:$0x1C600] =	vst v63  }
0xe2: {  	s6 =	simm.s32 @!p0 $0x7  }
0xe3: {  	_ =	swait.ge @!p0 [sflag:s6], $0x4000  }
0xe4: {  	[sflag:s6] =	ssyncset.done @!p0 $0x0  }
0xe5: {  	[sflag:s6] =	ssyncadd.s32 @!p0 $0xFFFFC000  }
0xe6: {  	v10 =	vld.msk @!p0 [tilespmem:s16+$0xFFFFFFF8], $0xff;
	_ =	sdelay $0x4  }
0xe7: {  	v11 =	vshll.u32 @!p0 v10, $0x4  }
0xe8: {  	v12 =	vlaneseq.u32 @!p0;
	v10 =	vand.u32 @!p0 $0x7, v10;
	v11 =	vand.u32 @!p0 $0xFFFFFF80, v11  }
0xe9: {  	v10 =	vor.u32 @!p0 v10, v11;
	v11 =	vand.u32 @!p0 $0x7, v12;
	v12 =	vshrl.u32 @!p0 v12, $0x3  }
0xea: {  	v10 =	vperm.xlane @!p0 v10, v11;
	v11 =	vmul.u32 @!p0 $0x8, v12;
	_ =	sdelay $0x1  }
0xeb: {  	v10 =	vadd.s32 @!p0 v11, v10;
	_ =	sdelay $0x3  }
0xec: {  	vm4 =	vmmov @!p0 $0xffff;
	s28 =	simm.s32 @!p0 $0x4600;
	s6 =	simm.s32 @!p0 $0x0  }
0xed: {  	[tilespmem:s28], [sflag:$0x2] =	stream.indirect_vreg.gather @!p0 [hbm4b:s1+s6], $0x80, v10, vm4, $0xb8;
	[tilespmem:$0x1C600] =	vst v63  }
0xee: {  	s28 =	simm.s32 @!p0 $0x4E00  }
0xef: {  	[tilespmem:s28], [sflag:$0x2] =	stream.indirect_vreg.gather @!p0 [hbm4b:s8+s6], $0x80, v10, vm4, $0xb8;
	[tilespmem:$0x1C600] =	vst v63  }
0xf0: {  	s28 =	simm.s32 @!p0 $0x5600  }
0xf1: {  	[tilespmem:s28], [sflag:$0x2] =	stream.indirect_vreg.gather @!p0 [hbm4b:s9+s6], $0x80, v10, vm4, $0xb8;
	[tilespmem:$0x1C600] =	vst v63  }
0xf2: {  	s28 =	simm.s32 @!p0 $0x5E00  }
0xf3: {  	[tilespmem:s28], [sflag:$0x2] =	stream.indirect_vreg.gather @!p0 [hbm4b:s10+s6], $0x80, v10, vm4, $0xb8;
	[tilespmem:$0x1C600] =	vst v63  }
0xf4: {  	s28 =	simm.s32 @!p0 $0x6600  }
0xf5: {  	[tilespmem:s28], [sflag:$0x2] =	stream.indirect_vreg.gather @!p0 [hbm4b:s11+s6], $0x80, v10, vm4, $0xb8;
	[tilespmem:$0x1C600] =	vst v63  }
0xf6: {  	s28 =	simm.s32 @!p0 $0x6E00  }
0xf7: {  	[tilespmem:s28], [sflag:$0x2] =	stream.indirect_vreg.gather @!p0 [hbm4b:s12+s6], $0x80, v10, vm4, $0xb8;
	[tilespmem:$0x1C600] =	vst v63  }
0xf8: {  	s28 =	simm.s32 @!p0 $0x7600  }
0xf9: {  	[tilespmem:s28], [sflag:$0x2] =	stream.indirect_vreg.gather @!p0 [hbm4b:s13+s6], $0x80, v10, vm4, $0xb8;
	[tilespmem:$0x1C600] =	vst v63  }
0xfa: {  	s30 =	sadd.s32 $0x3, s3;
	s28 =	simm.s32 @!p0 $0x7E00  }
0xfb: {  	[tilespmem:s28], [sflag:$0x2] =	stream.indirect_vreg.gather @!p0 [hbm4b:s14+s6], $0x80, v10, vm4, $0xb8;
	[tilespmem:$0x1C600] =	vst v63  }
0xfc: {  	s18 =	sadd.s32 $0x1, s18;
	s6 =	smul.u32 $0x28, s26;
	s28 =	sadd.s32 $0x4, s3  }
.LBB2_10:
0xfd: {  	s0 =	simm.s32 $0x5  }
0xfe: {  	s29 =	sadd.s32 $0x2, s3;
	_ =	swait.ge [sflag:s0], $0x4000  }
0xff: {  	p0 =	sgt.u32 s29, $0x3A;
	[sflag:s0] =	ssyncset.done $0x0  }
0x100: {  	s23 =	simm.s32 $0x10600;
	s29 =	simm.s32 @!p0 $0x8;
	[sflag:s0] =	ssyncadd.s32 $0xFFFFC000  }
0x101: {  	[hbm4b:s17+s5] =	stream.linear.scatter [tilespmem:s23], [sflag:$0xA], $0x4000, $0x38;
	[tilespmem:$0x1C600] =	vst v63  }
0x102: {  	_ =	swait.ge @!p0 [sflag:s29], $0x4000  }
0x103: {  	[sflag:s29] =	ssyncset.done @!p0 $0x0  }
0x104: {  	[sflag:s29] =	ssyncadd.s32 @!p0 $0xFFFFC000  }
0x105: {  	v10 =	vld.msk @!p0 [tilespmem:s16+$0x0], $0xff;
	_ =	sdelay $0x4  }
0x106: {  	v11 =	vshll.u32 @!p0 v10, $0x4  }
0x107: {  	v12 =	vlaneseq.u32 @!p0;
	v10 =	vand.u32 @!p0 $0x7, v10;
	v11 =	vand.u32 @!p0 $0xFFFFFF80, v11  }
0x108: {  	v10 =	vor.u32 @!p0 v10, v11;
	v11 =	vand.u32 @!p0 $0x7, v12;
	v12 =	vshrl.u32 @!p0 v12, $0x3  }
0x109: {  	v10 =	vperm.xlane @!p0 v10, v11;
	v11 =	vmul.u32 @!p0 $0x8, v12;
	_ =	sdelay $0x1  }
0x10a: {  	v10 =	vadd.s32 @!p0 v11, v10;
	_ =	sdelay $0x3  }
0x10b: {  	vm4 =	vmmov @!p0 $0xffff;
	s31 =	simm.s32 @!p0 $0x8600;
	s29 =	simm.s32 @!p0 $0x0  }
0x10c: {  	[tilespmem:s31], [sflag:$0x3] =	stream.indirect_vreg.gather @!p0 [hbm4b:s1+s29], $0x80, v10, vm4, $0xb8;
	[tilespmem:$0x1C600] =	vst v63  }
0x10d: {  	s31 =	simm.s32 @!p0 $0x8E00  }
0x10e: {  	[tilespmem:s31], [sflag:$0x3] =	stream.indirect_vreg.gather @!p0 [hbm4b:s8+s29], $0x80, v10, vm4, $0xb8;
	[tilespmem:$0x1C600] =	vst v63  }
0x10f: {  	s31 =	simm.s32 @!p0 $0x9600  }
0x110: {  	[tilespmem:s31], [sflag:$0x3] =	stream.indirect_vreg.gather @!p0 [hbm4b:s9+s29], $0x80, v10, vm4, $0xb8;
	[tilespmem:$0x1C600] =	vst v63  }
0x111: {  	s31 =	simm.s32 @!p0 $0x9E00  }
0x112: {  	[tilespmem:s31], [sflag:$0x3] =	stream.indirect_vreg.gather @!p0 [hbm4b:s10+s29], $0x80, v10, vm4, $0xb8;
	[tilespmem:$0x1C600] =	vst v63  }
0x113: {  	s31 =	simm.s32 @!p0 $0xA600  }
0x114: {  	[tilespmem:s31], [sflag:$0x3] =	stream.indirect_vreg.gather @!p0 [hbm4b:s11+s29], $0x80, v10, vm4, $0xb8;
	[tilespmem:$0x1C600] =	vst v63  }
0x115: {  	s31 =	simm.s32 @!p0 $0xAE00  }
0x116: {  	[tilespmem:s31], [sflag:$0x3] =	stream.indirect_vreg.gather @!p0 [hbm4b:s12+s29], $0x80, v10, vm4, $0xb8;
	[tilespmem:$0x1C600] =	vst v63  }
0x117: {  	s31 =	simm.s32 @!p0 $0xB600  }
0x118: {  	[tilespmem:s31], [sflag:$0x3] =	stream.indirect_vreg.gather @!p0 [hbm4b:s13+s29], $0x80, v10, vm4, $0xb8;
	[tilespmem:$0x1C600] =	vst v63  }
0x119: {  	s31 =	simm.s32 @!p0 $0xBE00  }
0x11a: {  	[tilespmem:s31], [sflag:$0x3] =	stream.indirect_vreg.gather @!p0 [hbm4b:s14+s29], $0x80, v10, vm4, $0xb8;
	[tilespmem:$0x1C600] =	vst v63  }
0x11b: {  	s29 =	sadd.s32 $0x7, s3;
	s31 =	rddreg [dreg:$0x3]  }
.LBB2_11:
0x11c: {  	s23 =	simm.s32 $0x1  }
0x11d: {  	_ =	swait.ge [sflag:s23], $0x4000  }
0x11e: {  	s0 =	rddreg [dreg:$0x15]  }
0x11f: {  	s6 =	sadd.s32 s0, s6  }
0x120: {  	[sflag:s23] =	ssyncset.done $0x0;
	s6 =	sshll.u32 s6, $0x8  }
0x121: {  	p0 =	sgt.u32 s30, $0x3A;
	[sflag:s23] =	ssyncadd.s32 $0xFFFFC000;
	s6 =	sadd.s32 s31, s6  }
0x122: {  	[hbm4b:s6+s5] =	stream.linear.scatter [tilespmem:s20], [sflag:$0x6], $0x4000, $0x38;
	[tilespmem:$0x1C600] =	vst v63  }
0x123: {  	s6 =	simm.s32 @!p0 $0x9  }
0x124: {  	_ =	swait.ge @!p0 [sflag:s6], $0x4000  }
0x125: {  	[sflag:s6] =	ssyncset.done @!p0 $0x0  }
0x126: {  	[sflag:s6] =	ssyncadd.s32 @!p0 $0xFFFFC000  }
0x127: {  	v10 =	vld.msk @!p0 [tilespmem:s16+$0x8], $0xff;
	_ =	sdelay $0x4  }
0x128: {  	v11 =	vshll.u32 @!p0 v10, $0x4  }
0x129: {  	v12 =	vlaneseq.u32 @!p0;
	v10 =	vand.u32 @!p0 $0x7, v10;
	v11 =	vand.u32 @!p0 $0xFFFFFF80, v11  }
0x12a: {  	v10 =	vor.u32 @!p0 v10, v11;
	v11 =	vand.u32 @!p0 $0x7, v12;
	v12 =	vshrl.u32 @!p0 v12, $0x3  }
0x12b: {  	v10 =	vperm.xlane @!p0 v10, v11;
	v11 =	vmul.u32 @!p0 $0x8, v12;
	_ =	sdelay $0x1  }
0x12c: {  	v10 =	vadd.s32 @!p0 v11, v10;
	_ =	sdelay $0x3  }
0x12d: {  	vm4 =	vmmov @!p0 $0xffff;
	s30 =	simm.s32 @!p0 $0xC600;
	s6 =	simm.s32 @!p0 $0x0  }
0x12e: {  	[tilespmem:s30], [sflag:$0x4] =	stream.indirect_vreg.gather @!p0 [hbm4b:s1+s6], $0x80, v10, vm4, $0xb8;
	[tilespmem:$0x1C600] =	vst v63  }
0x12f: {  	s30 =	simm.s32 @!p0 $0xCE00  }
0x130: {  	[tilespmem:s30], [sflag:$0x4] =	stream.indirect_vreg.gather @!p0 [hbm4b:s8+s6], $0x80, v10, vm4, $0xb8;
	[tilespmem:$0x1C600] =	vst v63  }
0x131: {  	s30 =	simm.s32 @!p0 $0xD600  }
0x132: {  	[tilespmem:s30], [sflag:$0x4] =	stream.indirect_vreg.gather @!p0 [hbm4b:s9+s6], $0x80, v10, vm4, $0xb8;
	[tilespmem:$0x1C600] =	vst v63  }
0x133: {  	s30 =	simm.s32 @!p0 $0xDE00  }
0x134: {  	[tilespmem:s30], [sflag:$0x4] =	stream.indirect_vreg.gather @!p0 [hbm4b:s10+s6], $0x80, v10, vm4, $0xb8;
	[tilespmem:$0x1C600] =	vst v63  }
0x135: {  	s30 =	simm.s32 @!p0 $0xE600  }
0x136: {  	[tilespmem:s30], [sflag:$0x4] =	stream.indirect_vreg.gather @!p0 [hbm4b:s11+s6], $0x80, v10, vm4, $0xb8;
	[tilespmem:$0x1C600] =	vst v63  }
0x137: {  	s30 =	simm.s32 @!p0 $0xEE00  }
0x138: {  	[tilespmem:s30], [sflag:$0x4] =	stream.indirect_vreg.gather @!p0 [hbm4b:s12+s6], $0x80, v10, vm4, $0xb8;
	[tilespmem:$0x1C600] =	vst v63  }
0x139: {  	s30 =	simm.s32 @!p0 $0xF600  }
0x13a: {  	[tilespmem:s30], [sflag:$0x4] =	stream.indirect_vreg.gather @!p0 [hbm4b:s13+s6], $0x80, v10, vm4, $0xb8;
	[tilespmem:$0x1C600] =	vst v63  }
0x13b: {  	s30 =	simm.s32 @!p0 $0xFE00  }
0x13c: {  	[tilespmem:s30], [sflag:$0x4] =	stream.indirect_vreg.gather @!p0 [hbm4b:s14+s6], $0x80, v10, vm4, $0xb8;
	[tilespmem:$0x1C600] =	vst v63  }
0x13d: {  	s6 =	simm.s32 $0x2  }
0x13e: {  	_ =	swait.ge [sflag:s6], $0x4000  }
0x13f: {  	s18 =	sshll.u32 s18, $0xB;
	s23 =	simm.s32 $0x4600;
	[sflag:s6] =	ssyncset.done $0x0  }
0x140: {  	p0 =	sgt.u32 s28, $0x3A;
	[sflag:s6] =	ssyncadd.s32 $0xFFFFC000;
	s6 =	sadd.s32 s18, s15  }
0x141: {  	[hbm4b:s6+s5] =	stream.linear.scatter [tilespmem:s23], [sflag:$0x7], $0x4000, $0x38;
	[tilespmem:$0x1C600] =	vst v63  }
0x142: {  	s6 =	simm.s32 @!p0 $0xA  }
0x143: {  	_ =	swait.ge @!p0 [sflag:s6], $0x4000  }
0x144: {  	[sflag:s6] =	ssyncset.done @!p0 $0x0  }
0x145: {  	[sflag:s6] =	ssyncadd.s32 @!p0 $0xFFFFC000  }
0x146: {  	v10 =	vld.msk @!p0 [tilespmem:s16+$0x10], $0xff;
	_ =	sdelay $0x4  }
0x147: {  	v11 =	vshll.u32 @!p0 v10, $0x4  }
0x148: {  	v12 =	vlaneseq.u32 @!p0;
	v10 =	vand.u32 @!p0 $0x7, v10;
	v11 =	vand.u32 @!p0 $0xFFFFFF80, v11  }
0x149: {  	v10 =	vor.u32 @!p0 v10, v11;
	v11 =	vand.u32 @!p0 $0x7, v12;
	v12 =	vshrl.u32 @!p0 v12, $0x3  }
0x14a: {  	v10 =	vperm.xlane @!p0 v10, v11;
	v11 =	vmul.u32 @!p0 $0x8, v12;
	_ =	sdelay $0x1  }
0x14b: {  	v10 =	vadd.s32 @!p0 v11, v10;
	_ =	sdelay $0x3  }
0x14c: {  	vm4 =	vmmov @!p0 $0xffff;
	s18 =	simm.s32 @!p0 $0x10600;
	s6 =	simm.s32 @!p0 $0x0  }
0x14d: {  	[tilespmem:s18], [sflag:$0x5] =	stream.indirect_vreg.gather @!p0 [hbm4b:s1+s6], $0x80, v10, vm4, $0xb8;
	[tilespmem:$0x1C600] =	vst v63  }
0x14e: {  	s18 =	simm.s32 @!p0 $0x10E00  }
0x14f: {  	[tilespmem:s18], [sflag:$0x5] =	stream.indirect_vreg.gather @!p0 [hbm4b:s8+s6], $0x80, v10, vm4, $0xb8;
	[tilespmem:$0x1C600] =	vst v63  }
0x150: {  	s18 =	simm.s32 @!p0 $0x11600  }
0x151: {  	[tilespmem:s18], [sflag:$0x5] =	stream.indirect_vreg.gather @!p0 [hbm4b:s9+s6], $0x80, v10, vm4, $0xb8;
	[tilespmem:$0x1C600] =	vst v63  }
0x152: {  	s18 =	simm.s32 @!p0 $0x11E00  }
0x153: {  	[tilespmem:s18], [sflag:$0x5] =	stream.indirect_vreg.gather @!p0 [hbm4b:s10+s6], $0x80, v10, vm4, $0xb8;
	[tilespmem:$0x1C600] =	vst v63  }
0x154: {  	s18 =	simm.s32 @!p0 $0x12600  }
0x155: {  	[tilespmem:s18], [sflag:$0x5] =	stream.indirect_vreg.gather @!p0 [hbm4b:s11+s6], $0x80, v10, vm4, $0xb8;
	[tilespmem:$0x1C600] =	vst v63  }
0x156: {  	s18 =	simm.s32 @!p0 $0x12E00  }
0x157: {  	[tilespmem:s18], [sflag:$0x5] =	stream.indirect_vreg.gather @!p0 [hbm4b:s12+s6], $0x80, v10, vm4, $0xb8;
	[tilespmem:$0x1C600] =	vst v63  }
0x158: {  	s18 =	simm.s32 @!p0 $0x13600  }
0x159: {  	[tilespmem:s18], [sflag:$0x5] =	stream.indirect_vreg.gather @!p0 [hbm4b:s13+s6], $0x80, v10, vm4, $0xb8;
	[tilespmem:$0x1C600] =	vst v63  }
0x15a: {  	s3 =	sadd.s32 $0x5, s3;
	s18 =	simm.s32 @!p0 $0x13E00  }
0x15b: {  	[tilespmem:s18], [sflag:$0x5] =	stream.indirect_vreg.gather @!p0 [hbm4b:s14+s6], $0x80, v10, vm4, $0xb8;
	[tilespmem:$0x1C600] =	vst v63  }
0x15c: {  	p0 =	sne.s32 s3, $0x3C  }
.Ltmp4:
0x15d: {  	s29 =	sshll.u32 s29, $0xB;
	s28 =	simm.s32 $0x3;
	(pc) =	sbr.rel @!p0 .LBB2_12-.Ltmp4, $4  }
0x15e: {  	s26 =	sadd.s32 $0x1, s26;
	s19 =	sadd.s32 $0x28, s19;
	_ =	swait.ge [sflag:s28], $0x4000  }
0x15f: {  	s17 =	sadd.s32 $0x2800, s17;
	s30 =	simm.s32 $0x8600;
	[sflag:s28] =	ssyncset.done $0x0  }
0x160: {  	s16 =	sadd.s32 $0x28, s16;
	s6 =	sadd.s32 s29, s15;
	[sflag:s28] =	ssyncadd.s32 $0xFFFFC000  }
0x161: {  	[hbm4b:s6+s5] =	stream.linear.scatter [tilespmem:s30], [sflag:$0x8], $0x4000, $0x38;
	[tilespmem:$0x1C600] =	vst v63  }
.LBB2_4:
0x162: {  	p0 =	sgt.u32 s3, $0x3A  }
.Ltmp5:
0x163: {  	_ = 	snop;
	(pc) =	sbr.rel @!p0 .LBB2_5-.Ltmp5, $2  }
0x164: {  	_ =	sdelay $0x2  }
0x165: {  	s18 =	smul.u32 $0x5, s26  }
0x166: {  	s30 =	sadd.s32 $0x3, s3  }
0x167: {  	p0 =	sgt.u32 s30, $0x3F  }
.Ltmp6:
0x168: {  	_ = 	snop;
	(pc) =	sbr.rel @!p0 .LBB2_7-.Ltmp6, $1  }
0x169: {  	_ =	sdelay $0x3  }
0x16a: {  	s6 =	sadd.s32 $0x4, s3  }
0x16b: {  	p0 =	sgt.u32 s6, $0x3F  }
.Ltmp7:
0x16c: {  	_ = 	snop;
	(pc) =	sbr.rel @p0 .LBB2_17-.Ltmp7, $1  }
0x16d: {  	_ =	sdelay $0x3  }
.Ltmp8:
0x16e: {  	(pc) =	sbr.rel .LBB2_10-.Ltmp8, $3  }
0x16f: {  	_ =	sdelay $0x1  }
0x170: {  	s30 =	sadd.s32 $0xFFFFFFFE, s18  }
0x171: {  	s18 =	sadd.s32 $0x1, s18;
	s6 =	smul.u32 $0x28, s26;
	s28 =	simm.s32 $0x0  }
.LBB2_17:
.Ltmp9:
0x172: {  	(pc) =	sbr.rel .LBB2_11-.Ltmp9, $3  }
0x173: {  	_ =	sdelay $0x1  }
0x174: {  	s18 =	sadd.s32 $0x6, s3  }
0x175: {  	s28 =	simm.s32 $0xFFFFFFFF;
	s29 =	simm.s32 $0x2;
	s6 =	smov.u32 s19  }
.LBB2_12:
0x176: {  	(v2sf) =	vpush v9, $0x0;
	_ =	sdelay $0xe  }
0x177: {  	s6 =	spop (v2sf)  }
0x178: {  	s3 =	sadd.s32 $0xF, s6  }
0x179: {  	s16 =	sand.u32 $0xF, s3  }
0x17a: {  	s17 =	sshra.s32 s3, $0x1F;
	p0 =	slt.s32 s3, $0x1;
	p1 =	sne.s32 s16, $0x0  }
0x17b: {  	s15 =	sshrl.u32 s17, $0x1C;
	p0 =	por !p0, !p1  }
0x17c: {  	s16 =	simm.s32 $0x1;
	s3 =	sadd.s32 s15, s3;
	p0 =	por !p0, !p0  }
0x17d: {  	s3 =	sshra.s32 s3, $0x4;
	s16 =	simm.s32 @!p0 $0x0  }
0x17e: {  	s3 =	ssub.s32 s3, s16  }
0x17f: {  	p0 =	slt.s32 s3, $0x1  }
0x180: {  	s16 =	sadd.s32 @!p0 $0xFFFFFFFF, s6  }
0x181: {  	v10 =	vld @!p0 [tilespmem:$0x400];
	p1 =	sgt.s32 @!p0 s16, $0x0  }
0x182: {  	p1 =	por !p1, p0  }
0x183: {  	s16 =	simm.s32 @p1 $0x0  }
0x184: {  	s16 =	smin.u32 @!p0 s16, $0xF  }
0x185: {  	v11 =	vbroadcast @!p0 v9, $0x0;
	v12 =	vmov @!p0 s16  }
0x186: {  	v13 =	vlaneseq.u32 @!p0;
	v12 =	vperm.xlane @!p0 v10, v12  }
0x187: {  	vm4 =	vgt.s32 @!p0 v11, v13  }
0x188: {  	v10 =	vsel @!p0 vm4, v10, v12  }
0x189: {  	v11 =	vshll.u32 @!p0 v10, $0x4  }
0x18a: {  	v10 =	vand.u32 @!p0 $0x7, v10;
	v11 =	vand.u32 @!p0 $0xFFFFFF80, v11  }
0x18b: {  	v12 =	vshrl.u32 @!p0 v13, $0x3;
	v10 =	vor.u32 @!p0 v10, v11;
	v11 =	vand.u32 @!p0 $0x7, v13  }
0x18c: {  	v12 =	vmul.u32 @!p0 $0x8, v12;
	v11 =	vperm.xlane @!p0 v10, v11;
	_ =	sdelay $0x1  }
0x18d: {  	v11 =	vadd.s32 @!p0 v12, v11  }
0x18e: {  	s29 =	rddreg [dreg:$0x2]  }
0x18f: {  	s9 =	rddreg [dreg:$0x17]  }
0x190: {  	s0 =	rddreg [dreg:$0x18]  }
0x191: {  	s1 =	smov.u32 s24;
	s17 =	simm.s32 @!p0 $0x14600;
	s16 =	simm.s32 @!p0 $0x0;
	vm4 =	vmmov @!p0 $0xffff  }
0x192: {  	[tilespmem:s17], [sflag:$0xB] =	stream.indirect_vreg.gather @!p0 [hbm4b:s29+s16], $0x80, v11, vm4, $0xb8;
	[tilespmem:$0x1C600] =	vst v63  }
0x193: {  	s24 =	smov.u32 s2;
	s2 =	smov.u32 s7;
	s17 =	simm.s32 @!p0 $0x14E00  }
0x194: {  	[tilespmem:s17], [sflag:$0xB] =	stream.indirect_vreg.gather @!p0 [hbm4b:s9+s16], $0x80, v11, vm4, $0xb8;
	[tilespmem:$0x1C600] =	vst v63  }
0x195: {  	s7 =	smov.u32 s4;
	s4 =	rddreg [dreg:$0x19];
	s17 =	simm.s32 @!p0 $0x15600  }
0x196: {  	[tilespmem:s17], [sflag:$0xB] =	stream.indirect_vreg.gather @!p0 [hbm4b:s0+s16], $0x80, v11, vm4, $0xb8;
	[tilespmem:$0x1C600] =	vst v63  }
0x197: {  	s30 =	smov.u32 s25;
	s25 =	rddreg [dreg:$0x1a];
	s17 =	simm.s32 @!p0 $0x15E00  }
0x198: {  	[tilespmem:s17], [sflag:$0xB] =	stream.indirect_vreg.gather @!p0 [hbm4b:s4+s16], $0x80, v11, vm4, $0xb8;
	[tilespmem:$0x1C600] =	vst v63  }
0x199: {  	s20 =	rddreg [dreg:$0x1b];
	s17 =	simm.s32 @!p0 $0x16600  }
0x19a: {  	v13 =	vor.u32 @!p0 $0x8, v13;
	[tilespmem:s17], [sflag:$0xB] =	stream.indirect_vreg.gather @!p0 [hbm4b:s25+s16], $0x80, v11, vm4, $0xb8;
	[tilespmem:$0x1C600] =	vst v63  }
0x19b: {  	s23 =	rddreg [dreg:$0x1f];
	v10 =	vperm.xlane @!p0 v10, v13;
	s17 =	simm.s32 @!p0 $0x16E00  }
0x19c: {  	[tilespmem:s17], [sflag:$0xB] =	stream.indirect_vreg.gather @!p0 [hbm4b:s20+s16], $0x80, v11, vm4, $0xb8;
	[tilespmem:$0x1C600] =	vst v63  }
0x19d: {  	s22 =	sld [smem:$0x7F9];
	v10 =	vadd.s32 @!p0 v12, v10;
	s17 =	simm.s32 @!p0 $0x17600  }
0x19e: {  	[tilespmem:s17], [sflag:$0xB] =	stream.indirect_vreg.gather @!p0 [hbm4b:s23+s16], $0x80, v11, vm4, $0xb8;
	[tilespmem:$0x1C600] =	vst v63  }
0x19f: {  	s17 =	simm.s32 @!p0 $0x17E00  }
0x1a0: {  	[tilespmem:s17], [sflag:$0xB] =	stream.indirect_vreg.gather @!p0 [hbm4b:s22+s16], $0x80, v11, vm4, $0xb8;
	[tilespmem:$0x1C600] =	vst v63  }
0x1a1: {  	s17 =	simm.s32 @!p0 $0x18600  }
0x1a2: {  	[tilespmem:s17], [sflag:$0xB] =	stream.indirect_vreg.gather @!p0 [hbm4b:s29+s16], $0x80, v10, vm4, $0xb8;
	[tilespmem:$0x1C600] =	vst v63  }
0x1a3: {  	s17 =	simm.s32 @!p0 $0x18E00  }
0x1a4: {  	[tilespmem:s17], [sflag:$0xB] =	stream.indirect_vreg.gather @!p0 [hbm4b:s9+s16], $0x80, v10, vm4, $0xb8;
	[tilespmem:$0x1C600] =	vst v63  }
0x1a5: {  	s17 =	simm.s32 @!p0 $0x19600  }
0x1a6: {  	[tilespmem:s17], [sflag:$0xB] =	stream.indirect_vreg.gather @!p0 [hbm4b:s0+s16], $0x80, v10, vm4, $0xb8;
	[tilespmem:$0x1C600] =	vst v63  }
0x1a7: {  	s17 =	simm.s32 @!p0 $0x19E00  }
0x1a8: {  	[tilespmem:s17], [sflag:$0xB] =	stream.indirect_vreg.gather @!p0 [hbm4b:s4+s16], $0x80, v10, vm4, $0xb8;
	[tilespmem:$0x1C600] =	vst v63  }
0x1a9: {  	s17 =	simm.s32 @!p0 $0x1A600  }
0x1aa: {  	[tilespmem:s17], [sflag:$0xB] =	stream.indirect_vreg.gather @!p0 [hbm4b:s25+s16], $0x80, v10, vm4, $0xb8;
	[tilespmem:$0x1C600] =	vst v63  }
0x1ab: {  	s17 =	simm.s32 @!p0 $0x1AE00  }
0x1ac: {  	[tilespmem:s17], [sflag:$0xB] =	stream.indirect_vreg.gather @!p0 [hbm4b:s20+s16], $0x80, v10, vm4, $0xb8;
	[tilespmem:$0x1C600] =	vst v63  }
0x1ad: {  	s17 =	simm.s32 @!p0 $0x1B600  }
0x1ae: {  	[tilespmem:s17], [sflag:$0xB] =	stream.indirect_vreg.gather @!p0 [hbm4b:s23+s16], $0x80, v10, vm4, $0xb8;
	[tilespmem:$0x1C600] =	vst v63  }
0x1af: {  	s17 =	simm.s32 @!p0 $0x1BE00  }
0x1b0: {  	[tilespmem:s17], [sflag:$0xB] =	stream.indirect_vreg.gather @!p0 [hbm4b:s22+s16], $0x80, v10, vm4, $0xb8;
	[tilespmem:$0x1C600] =	vst v63  }
0x1b1: {  	s17 =	simm.s32 $0x6  }
0x1b2: {  	s15 =	smov.u32 s21;
	s21 =	sld [smem:$0x7FC];
	_ =	swait.ge [sflag:s17], $0x4000  }
0x1b3: {  	[sflag:s17] =	ssyncset.done $0x0  }
0x1b4: {  	s18 =	simm.s32 $0x7;
	[sflag:s17] =	ssyncadd.s32 $0xFFFFC000  }
0x1b5: {  	_ =	swait.ge [sflag:s18], $0x4000  }
0x1b6: {  	[sflag:s18] =	ssyncset.done $0x0  }
0x1b7: {  	s19 =	simm.s32 $0x8;
	[sflag:s18] =	ssyncadd.s32 $0xFFFFC000  }
0x1b8: {  	_ =	swait.ge [sflag:s19], $0x4000  }
0x1b9: {  	[sflag:s19] =	ssyncset.done $0x0  }
0x1ba: {  	s26 =	simm.s32 $0x9;
	[sflag:s19] =	ssyncadd.s32 $0xFFFFC000  }
0x1bb: {  	_ =	swait.ge [sflag:s26], $0x4000  }
.Ltmp10:
0x1bc: {  	[sflag:s26] =	ssyncset.done $0x0;
	(pc) =	sbr.rel @p0 .LBB2_15-.Ltmp10, $4  }
0x1bd: {  	s28 =	simm.s32 $0xA;
	[sflag:s26] =	ssyncadd.s32 $0xFFFFC000  }
0x1be: {  	_ =	swait.ge [sflag:s28], $0x4000  }
0x1bf: {  	[sflag:s28] =	ssyncset.done $0x0  }
0x1c0: {  	s8 =	simm.s32 $0xC;
	s29 =	simm.s32 $0xB;
	[sflag:s28] =	ssyncadd.s32 $0xFFFFC000  }
0x1c1: {  	s6 =	sadd.s32 $0xFFFFFFEF, s6;
	s16 =	simm.s32 $0x0  }
0x1c2: {  	v9 =	vbroadcast v9, $0x0;
	s17 =	simm.s32 $0x410;
	s26 =	simm.s32 $0x10;
	s18 =	simm.s32 $0x200  }
.LBB2_14:
0x1c3: {  	s19 =	sadd.s32 $0x10, s6;
	v10 =	vld [tilespmem:s18+$0x0]  }
0x1c4: {  	p0 =	sgt.s32 s19, $0x0  }
0x1c5: {  	s19 =	simm.s32 @!p0 $0x0  }
0x1c6: {  	s19 =	smin.u32 s19, $0xF  }
0x1c7: {  	s28 =	sadd.s32 $0xFFFFFFF0, s26;
	v11 =	vmov s19  }
0x1c8: {  	v12 =	vor.u32 s28, v0;
	v11 =	vperm.xlane v10, v11  }
0x1c9: {  	vm4 =	vlt.s32 v12, v9  }
0x1ca: {  	v10 =	vsel vm4, v10, v11  }
0x1cb: {  	v11 =	vshll.u32 v10, $0x4  }
0x1cc: {  	v10 =	vand.u32 $0x7, v10;
	v11 =	vand.u32 $0xFFFFFF80, v11  }
0x1cd: {  	v10 =	vor.u32 v10, v11  }
0x1ce: {  	v11 =	vperm.xlane v10, v1;
	_ =	sdelay $0x1  }
0x1cf: {  	v11 =	vadd.s32 v3, v11;
	_ =	sdelay $0x1  }
0x1d0: {  	_ =	swait.ge [sflag:s29], $0x8000  }
0x1d1: {  	[sflag:s29] =	ssyncset.done $0x0  }
0x1d2: {  	[sflag:s29] =	ssyncadd.s32 $0xFFFF8000;
	s19 =	rddreg [dreg:$0x5]  }
0x1d3: {  	[hbm4b:s31+s5] =	stream.indirect_vreg.scatter [tilespmem:s19], [sflag:$0xC], $0x80, v11, vm0, $0xb8;
	[tilespmem:$0x1C600] =	vst v63  }
0x1d4: {  	s10 =	rddreg [dreg:$0x6]  }
0x1d5: {  	[hbm4b:s7+s5] =	stream.indirect_vreg.scatter [tilespmem:s10], [sflag:$0xC], $0x80, v11, vm0, $0xb8;
	[tilespmem:$0x1C600] =	vst v63  }
0x1d6: {  	s19 =	rddreg [dreg:$0x7]  }
0x1d7: {  	[hbm4b:s2+s5] =	stream.indirect_vreg.scatter [tilespmem:s19], [sflag:$0xC], $0x80, v11, vm0, $0xb8;
	[tilespmem:$0x1C600] =	vst v63  }
0x1d8: {  	s10 =	rddreg [dreg:$0x8]  }
0x1d9: {  	[hbm4b:s24+s5] =	stream.indirect_vreg.scatter [tilespmem:s10], [sflag:$0xC], $0x80, v11, vm0, $0xb8;
	[tilespmem:$0x1C600] =	vst v63  }
0x1da: {  	s19 =	rddreg [dreg:$0x9]  }
0x1db: {  	[hbm4b:s21+s5] =	stream.indirect_vreg.scatter [tilespmem:s19], [sflag:$0xC], $0x80, v11, vm0, $0xb8;
	[tilespmem:$0x1C600] =	vst v63  }
0x1dc: {  	v10 =	vperm.xlane v10, v8;
	s10 =	rddreg [dreg:$0xa]  }
0x1dd: {  	[hbm4b:s15+s5] =	stream.indirect_vreg.scatter [tilespmem:s10], [sflag:$0xC], $0x80, v11, vm0, $0xb8;
	[tilespmem:$0x1C600] =	vst v63  }
0x1de: {  	v10 =	vadd.s32 v3, v10;
	s19 =	rddreg [dreg:$0xb]  }
0x1df: {  	[hbm4b:s1+s5] =	stream.indirect_vreg.scatter [tilespmem:s19], [sflag:$0xC], $0x80, v11, vm0, $0xb8;
	[tilespmem:$0x1C600] =	vst v63  }
0x1e0: {  	s10 =	rddreg [dreg:$0xc]  }
0x1e1: {  	[hbm4b:s30+s5] =	stream.indirect_vreg.scatter [tilespmem:s10], [sflag:$0xC], $0x80, v11, vm0, $0xb8;
	[tilespmem:$0x1C600] =	vst v63  }
0x1e2: {  	s19 =	rddreg [dreg:$0xd]  }
0x1e3: {  	[hbm4b:s31+s5] =	stream.indirect_vreg.scatter [tilespmem:s19], [sflag:$0xC], $0x80, v10, vm0, $0xb8;
	[tilespmem:$0x1C600] =	vst v63  }
0x1e4: {  	s10 =	rddreg [dreg:$0xe]  }
0x1e5: {  	[hbm4b:s7+s5] =	stream.indirect_vreg.scatter [tilespmem:s10], [sflag:$0xC], $0x80, v10, vm0, $0xb8;
	[tilespmem:$0x1C600] =	vst v63  }
0x1e6: {  	s19 =	rddreg [dreg:$0xf]  }
0x1e7: {  	[hbm4b:s2+s5] =	stream.indirect_vreg.scatter [tilespmem:s19], [sflag:$0xC], $0x80, v10, vm0, $0xb8;
	[tilespmem:$0x1C600] =	vst v63  }
0x1e8: {  	s10 =	rddreg [dreg:$0x10]  }
0x1e9: {  	[hbm4b:s24+s5] =	stream.indirect_vreg.scatter [tilespmem:s10], [sflag:$0xC], $0x80, v10, vm0, $0xb8;
	[tilespmem:$0x1C600] =	vst v63  }
0x1ea: {  	s19 =	rddreg [dreg:$0x11]  }
0x1eb: {  	[hbm4b:s21+s5] =	stream.indirect_vreg.scatter [tilespmem:s19], [sflag:$0xC], $0x80, v10, vm0, $0xb8;
	[tilespmem:$0x1C600] =	vst v63  }
0x1ec: {  	s10 =	rddreg [dreg:$0x12]  }
0x1ed: {  	[hbm4b:s15+s5] =	stream.indirect_vreg.scatter [tilespmem:s10], [sflag:$0xC], $0x80, v10, vm0, $0xb8;
	[tilespmem:$0x1C600] =	vst v63  }
0x1ee: {  	s19 =	rddreg [dreg:$0x13]  }
0x1ef: {  	[hbm4b:s1+s5] =	stream.indirect_vreg.scatter [tilespmem:s19], [sflag:$0xC], $0x80, v10, vm0, $0xb8;
	[tilespmem:$0x1C600] =	vst v63  }
0x1f0: {  	s10 =	rddreg [dreg:$0x14]  }
0x1f1: {  	[hbm4b:s30+s5] =	stream.indirect_vreg.scatter [tilespmem:s10], [sflag:$0xC], $0x80, v10, vm0, $0xb8;
	[tilespmem:$0x1C600] =	vst v63  }
0x1f2: {  	_ =	swait.ge [sflag:s8], $0x8000  }
0x1f3: {  	s16 =	sadd.s32 $0x1, s16;
	[sflag:s8] =	ssyncset.done $0x0  }
0x1f4: {  	p0 =	sge.s32 s16, s3;
	[sflag:s8] =	ssyncadd.s32 $0xFFFF8000  }
0x1f5: {  	p1 =	sgt.s32 @!p0 s6, $0x0;
	v10 =	vld @!p0 [tilespmem:s17+$0x0]  }
0x1f6: {  	p1 =	por !p1, p0;
	s19 =	smov.u32 s6  }
0x1f7: {  	s19 =	simm.s32 @p1 $0x0  }
0x1f8: {  	s19 =	smin.u32 @!p0 s19, $0xF  }
0x1f9: {  	v11 =	vlaneseq.u32 @!p0;
	v12 =	vmov @!p0 s19  }
0x1fa: {  	v13 =	vor.u32 @!p0 s26, v11;
	v12 =	vperm.xlane @!p0 v10, v12  }
0x1fb: {  	vm4 =	vlt.s32 @!p0 v13, v9  }
0x1fc: {  	v10 =	vsel @!p0 vm4, v10, v12  }
0x1fd: {  	v12 =	vshll.u32 @!p0 v10, $0x4  }
0x1fe: {  	v10 =	vand.u32 @!p0 $0x7, v10;
	v12 =	vand.u32 @!p0 $0xFFFFFF80, v12  }
0x1ff: {  	v13 =	vshrl.u32 @!p0 v11, $0x3;
	v10 =	vor.u32 @!p0 v10, v12;
	v12 =	vand.u32 @!p0 $0x7, v11  }
0x200: {  	v13 =	vmul.u32 @!p0 $0x8, v13;
	v12 =	vperm.xlane @!p0 v10, v12;
	_ =	sdelay $0x1  }
0x201: {  	v12 =	vadd.s32 @!p0 v13, v12;
	_ =	sdelay $0x3  }
0x202: {  	s28 =	simm.s32 @!p0 $0x14600;
	s19 =	simm.s32 @!p0 $0x0;
	s10 =	rddreg [dreg:$0x2];
	vm4 =	vmmov @!p0 $0xffff  }
0x203: {  	[tilespmem:s28], [sflag:$0xB] =	stream.indirect_vreg.gather @!p0 [hbm4b:s10+s19], $0x80, v12, vm4, $0xb8;
	[tilespmem:$0x1C600] =	vst v63  }
0x204: {  	s28 =	simm.s32 @!p0 $0x14E00  }
0x205: {  	[tilespmem:s28], [sflag:$0xB] =	stream.indirect_vreg.gather @!p0 [hbm4b:s9+s19], $0x80, v12, vm4, $0xb8;
	[tilespmem:$0x1C600] =	vst v63  }
0x206: {  	s28 =	simm.s32 @!p0 $0x15600  }
0x207: {  	[tilespmem:s28], [sflag:$0xB] =	stream.indirect_vreg.gather @!p0 [hbm4b:s0+s19], $0x80, v12, vm4, $0xb8;
	[tilespmem:$0x1C600] =	vst v63  }
0x208: {  	s28 =	simm.s32 @!p0 $0x15E00  }
0x209: {  	[tilespmem:s28], [sflag:$0xB] =	stream.indirect_vreg.gather @!p0 [hbm4b:s4+s19], $0x80, v12, vm4, $0xb8;
	[tilespmem:$0x1C600] =	vst v63  }
0x20a: {  	s28 =	simm.s32 @!p0 $0x16600  }
0x20b: {  	v11 =	vor.u32 @!p0 $0x8, v11;
	[tilespmem:s28], [sflag:$0xB] =	stream.indirect_vreg.gather @!p0 [hbm4b:s25+s19], $0x80, v12, vm4, $0xb8;
	[tilespmem:$0x1C600] =	vst v63  }
0x20c: {  	v10 =	vperm.xlane @!p0 v10, v11;
	s28 =	simm.s32 @!p0 $0x16E00  }
0x20d: {  	[tilespmem:s28], [sflag:$0xB] =	stream.indirect_vreg.gather @!p0 [hbm4b:s20+s19], $0x80, v12, vm4, $0xb8;
	[tilespmem:$0x1C600] =	vst v63  }
0x20e: {  	v10 =	vadd.s32 @!p0 v13, v10;
	s28 =	simm.s32 @!p0 $0x17600  }
0x20f: {  	[tilespmem:s28], [sflag:$0xB] =	stream.indirect_vreg.gather @!p0 [hbm4b:s23+s19], $0x80, v12, vm4, $0xb8;
	[tilespmem:$0x1C600] =	vst v63  }
0x210: {  	s28 =	simm.s32 @!p0 $0x17E00  }
0x211: {  	[tilespmem:s28], [sflag:$0xB] =	stream.indirect_vreg.gather @!p0 [hbm4b:s22+s19], $0x80, v12, vm4, $0xb8;
	[tilespmem:$0x1C600] =	vst v63  }
0x212: {  	s28 =	simm.s32 @!p0 $0x18600  }
0x213: {  	[tilespmem:s28], [sflag:$0xB] =	stream.indirect_vreg.gather @!p0 [hbm4b:s10+s19], $0x80, v10, vm4, $0xb8;
	[tilespmem:$0x1C600] =	vst v63  }
0x214: {  	s28 =	simm.s32 @!p0 $0x18E00  }
0x215: {  	[tilespmem:s28], [sflag:$0xB] =	stream.indirect_vreg.gather @!p0 [hbm4b:s9+s19], $0x80, v10, vm4, $0xb8;
	[tilespmem:$0x1C600] =	vst v63  }
0x216: {  	s28 =	simm.s32 @!p0 $0x19600  }
0x217: {  	[tilespmem:s28], [sflag:$0xB] =	stream.indirect_vreg.gather @!p0 [hbm4b:s0+s19], $0x80, v10, vm4, $0xb8;
	[tilespmem:$0x1C600] =	vst v63  }
0x218: {  	s28 =	simm.s32 @!p0 $0x19E00  }
0x219: {  	[tilespmem:s28], [sflag:$0xB] =	stream.indirect_vreg.gather @!p0 [hbm4b:s4+s19], $0x80, v10, vm4, $0xb8;
	[tilespmem:$0x1C600] =	vst v63  }
0x21a: {  	s28 =	simm.s32 @!p0 $0x1A600  }
0x21b: {  	[tilespmem:s28], [sflag:$0xB] =	stream.indirect_vreg.gather @!p0 [hbm4b:s25+s19], $0x80, v10, vm4, $0xb8;
	[tilespmem:$0x1C600] =	vst v63  }
0x21c: {  	s28 =	simm.s32 @!p0 $0x1AE00  }
0x21d: {  	[tilespmem:s28], [sflag:$0xB] =	stream.indirect_vreg.gather @!p0 [hbm4b:s20+s19], $0x80, v10, vm4, $0xb8;
	[tilespmem:$0x1C600] =	vst v63  }
0x21e: {  	s28 =	simm.s32 @!p0 $0x1B600  }
0x21f: {  	[tilespmem:s28], [sflag:$0xB] =	stream.indirect_vreg.gather @!p0 [hbm4b:s23+s19], $0x80, v10, vm4, $0xb8;
	[tilespmem:$0x1C600] =	vst v63  }
0x220: {  	s28 =	simm.s32 @!p0 $0x1BE00  }
0x221: {  	[tilespmem:s28], [sflag:$0xB] =	stream.indirect_vreg.gather @!p0 [hbm4b:s22+s19], $0x80, v10, vm4, $0xb8;
	[tilespmem:$0x1C600] =	vst v63  }
0x222: {  	p0 =	sne.s32 s3, s16  }
.Ltmp11:
0x223: {  	_ = 	snop;
	(pc) =	sbr.rel @p0 .LBB2_14-.Ltmp11, $3  }
0x224: {  	_ =	sdelay $0x1  }
0x225: {  	s18 =	sadd.s32 $0x10, s18  }
0x226: {  	s26 =	sadd.s32 $0x10, s26;
	s6 =	sadd.s32 $0xFFFFFFF0, s6;
	s17 =	sadd.s32 $0x10, s17  }
.Ltmp12:
0x227: {  	_ = 	snop;
	(pc) =	sbr.rel .LBB2_15-.Ltmp12, $1  }
0x228: {  	_ =	sdelay $0x3  }
.LBB2_16:
0x229: {  	_ =	sfence.sel $0x180000  }
0x22a: {  	[bflag:$0x0] =	sbarrier.arrive $0xFFFF  }
0x22b: {  	_ =	strace $0x90000047  }
0x22c: {  	s0 =	stileid.u32;
	[bflag:$0x2] =	sbarrier.arrive $0xFFFF  }
0x22d: {  	p0 =	sne.s32 s0, $0x0;
	s0 =	rddreg [dreg:$0x4]  }
0x22e: {  	s0 =	sadd.s32 @!p0 $0x100000, s0  }
0x22f: {  	[sflag:s0] =	ssyncadd.tile.s32 @!p0 $0x1;
	_ =	shalt  }
.Lfunc_end2:
_tile_overlayer_lowered:
.L_overlay_start_2:
0x230: {  	(tag) =	ssettag $0x2  }
0x231: {  	s0 =	rddreg [dreg:$0x0];
	s2 =	stileid.u32  }
0x232: {  	s1 =	rddreg [dreg:$0x1];
	p0 =	sne.s32 s2, $0x0  }
0x233: {  	s3 =	rddreg [dreg:$0x2];
	[bflag:$0x3] =	sbarrier.arrive $0xFFFF;
	s2 =	simm.s32 @!p0 $0x1C0D  }
0x234: {  	[timem:s3], [sflag:s2] =	dma.local @!p0 [hbm:s0], s1  }
0x235: {  	s0 =	simm.s32 @!p0 $0xD  }
0x236: {  	_ =	swait.ge @!p0 [sflag:s0], s1  }
0x237: {  	s1 =	ssub.s32 @!p0 $0x0, s1;
	[sflag:s0] =	ssyncset.done @!p0 $0x0  }
0x238: {  	[sflag:s0] =	ssyncadd.s32 @!p0 s1  }
0x239: {  	[bflag:$0x3] =	sbarrier.arrive $0xFFFF  }
0x23a: {  	_ =	shalt  }

</sc_bundles>
